<compile_context>
chip_gen: v7x
topology: tpu7x:2x2x1
jax: 0.10.2.dev20260603
libtpu: 0.0.44.dev20260713+nightly
codegen_flags: <defaults>
</compile_context>

<pallas_src>
import functools

import numpy as np
import jax
import jax.numpy as jnp
from jax import lax
from jax.experimental import pallas as pl
from jax.experimental.pallas import tpu as pltpu
from jax.experimental.pallas import tpu_sc as plsc

_NUM_FRAMES = 8
_NUM_PROBES = 4
_ROW_W = 768


def _spline_consts(T: int, P: int):
    t = np.linspace(0.0, T - 1, P).astype(np.int32).astype(np.float64)
    h = (t[1:] - t[:-1]).astype(np.float32)
    A = (np.diag(2.0 * (h[:-1] + h[1:])) + np.diag(h[1:-1], 1)
         + np.diag(h[1:-1], -1)).astype(np.float32)
    Ainv = np.linalg.inv(A).astype(np.float32)
    Ainv_bf = Ainv.astype(jnp.bfloat16).astype(np.float32)
    return [float(v) for v in t], [float(v) for v in h], Ainv_bf


def _score_body(V, T, C, HW, E, K,
                rows_ref, vids_ref, wembed_ref, bembed_ref, q_in_ref,
                wq_ref, bq_ref, wk_ref, bk_ref,
                interp_ref, idx_ref, pooled_ref):
    P = _NUM_PROBES
    p = pl.program_id(0)
    sums = jnp.sum(vids_ref[...], axis=2)
    pooled_ref[pl.ds(p, 1), :] = sums * (1.0 / HW)

    @pl.when(p == pl.num_programs(0) - 1)
    def _():
        pooled = pooled_ref[...]
        emb = jnp.dot(pooled, wembed_ref[...],
                      preferred_element_type=jnp.float32) + bembed_ref[...]
        q = jnp.dot(q_in_ref[...], wq_ref[...],
                    preferred_element_type=jnp.float32) + bq_ref[...]
        k = jnp.dot(emb, wk_ref[...],
                    preferred_element_type=jnp.float32) + bk_ref[...]
        kb = k.astype(jnp.bfloat16).astype(jnp.float32)
        qb = q.astype(jnp.bfloat16).astype(jnp.float32)
        logits = jnp.sum(kb * qb, axis=1, keepdims=True) * (E ** -0.5)
        a = logits.reshape(V, P)
        a = a - jnp.max(a, axis=-1, keepdims=True)
        e = jnp.exp(a)
        y = e / jnp.sum(e, axis=-1, keepdims=True)

        tk, h, AB = _spline_consts(T, P)
        dy = [(y[:, j + 1:j + 2] - y[:, j:j + 1]) / h[j] for j in range(P - 1)]
        rhs = [6.0 * (dy[j + 1] - dy[j]) for j in range(P - 2)]
        rb = [r.astype(jnp.bfloat16).astype(jnp.float32) for r in rhs]
        zero = jnp.zeros((V, 1), jnp.float32)
        M = ([zero]
             + [sum(rb[kk] * AB[m, kk] for kk in range(P - 2))
                for m in range(P - 2)]
             + [zero])
        ix = lax.broadcasted_iota(jnp.int32, (V, T), 1)
        xv = ix.astype(jnp.float32)
        interp = jnp.zeros((V, T), jnp.float32)
        for j in range(P - 1):
            if j == 0:
                sel = ix < int(tk[1])
            elif j == P - 2:
                sel = ix >= int(tk[j])
            else:
                sel = (ix >= int(tk[j])) & (ix < int(tk[j + 1]))
            ai = y[:, j:j + 1]
            bi = dy[j] - h[j] * (2.0 * M[j] + M[j + 1]) / 6.0
            ci = M[j] / 2.0
            di = (M[j + 1] - M[j]) / (6.0 * h[j])
            dx = xv - tk[j]
            val = ai + bi * dx + ci * dx ** 2 + di * dx ** 3
            interp = jnp.where(sel, val, interp)
        interp_ref[...] = interp

        cols = lax.broadcasted_iota(jnp.int32, (V, T), 1)
        val = interp
        tops = []
        for _i in range(K):
            mx = jnp.max(val, axis=-1, keepdims=True)
            cand = jnp.where(val == mx, cols, T)
            idx = jnp.min(cand, axis=-1, keepdims=True)
            tops.append(idx)
            val = jnp.where(cols == idx, -jnp.inf, val)
        top = jnp.concatenate(tops, axis=1)

        rpf = (HW * C) // _ROW_W
        v3 = lax.broadcasted_iota(jnp.int32, (V, K, rpf), 0)
        j3 = lax.broadcasted_iota(jnp.int32, (V, K, rpf), 2)
        t3 = top[:, :, None]
        idx_ref[...] = (v3 * T + t3) * rpf + j3


def _make_gather(num_rows_out, row_w):
    info = plsc.get_sparse_core_info()
    nc, ns, nl = info.num_cores, info.num_subcores, info.num_lanes
    nw = nc * ns
    assert num_rows_out % nw == 0
    rpw = num_rows_out // nw
    rpw_pad = ((rpw + nl - 1) // nl) * nl
    last_start = num_rows_out - rpw_pad
    mesh = plsc.VectorSubcoreMesh(core_axis_name="c", subcore_axis_name="s")

    @functools.partial(
        pl.kernel,
        mesh=mesh,
        out_type=jax.ShapeDtypeStruct((num_rows_out, row_w), jnp.float32),
        scratch_types=[
            pltpu.VMEM((rpw_pad,), jnp.int32),
            pltpu.VMEM((rpw_pad, row_w), jnp.float32),
            pltpu.SemaphoreType.DMA,
        ],
    )
    def gather_rows(table_hbm, idx_hbm, out_hbm, idx_v, rows_v, sem):
        wid = lax.axis_index("s") * nc + lax.axis_index("c")
        start = jnp.minimum((wid * rpw) // 8 * 8, last_start)
        start = pl.multiple_of(start, 8)
        pltpu.sync_copy(idx_hbm.at[pl.ds(start, rpw_pad)], idx_v)
        pltpu.async_copy(table_hbm.at[idx_v], rows_v, sem).wait()
        pltpu.sync_copy(rows_v, out_hbm.at[pl.ds(start, rpw_pad)])

    return gather_rows, nw


def kernel(videos, queries, Wq, bq, Wk, bk, W_embed, b_embed):
    B, V, T, C, H, W = videos.shape
    HW = H * W
    E = W_embed.shape[1]
    K = _NUM_FRAMES
    P = _NUM_PROBES

    t_probes = np.linspace(0.0, T - 1, P).astype(np.int32)
    probe_rows = jnp.asarray(
        np.add.outer(np.arange(B * V) * T, t_probes).reshape(-1), jnp.int32)

    vids_flat = videos.reshape(B * V * T, C, HW)
    body = functools.partial(_score_body, B * V, T, C, HW, E, K)
    rows_per_frame = (HW * C) // _ROW_W
    grid_spec = pltpu.PrefetchScalarGridSpec(
        num_scalar_prefetch=1,
        grid=(B * V * P,),
        in_specs=[
            pl.BlockSpec((1, C, HW), lambda p, rows: (rows[p], 0, 0)),
            pl.BlockSpec((C, E), lambda p, rows: (0, 0)),
            pl.BlockSpec((1, E), lambda p, rows: (0, 0)),
            pl.BlockSpec((1, E), lambda p, rows: (0, 0)),
            pl.BlockSpec((E, E), lambda p, rows: (0, 0)),
            pl.BlockSpec((1, E), lambda p, rows: (0, 0)),
            pl.BlockSpec((E, E), lambda p, rows: (0, 0)),
            pl.BlockSpec((1, E), lambda p, rows: (0, 0)),
        ],
        out_specs=[
            pl.BlockSpec((B * V, T), lambda p, rows: (0, 0)),
            pl.BlockSpec((B * V, K, rows_per_frame),
                         lambda p, rows: (0, 0, 0)),
        ],
        scratch_shapes=[pltpu.VMEM((B * V * P, C), jnp.float32)],
    )
    interp, idx3 = pl.pallas_call(
        body,
        grid_spec=grid_spec,
        out_shape=[
            jax.ShapeDtypeStruct((B * V, T), jnp.float32),
            jax.ShapeDtypeStruct((B * V, K, rows_per_frame), jnp.int32),
        ],
    )(probe_rows, vids_flat, W_embed, b_embed.reshape(1, E),
      queries.reshape(B * queries.shape[1], E), Wq, bq.reshape(1, E),
      Wk, bk.reshape(1, E))

    num_rows_out = B * V * K * rows_per_frame
    table = videos.reshape(B * V * T * rows_per_frame, _ROW_W)
    gather_rows, nw = _make_gather(num_rows_out, _ROW_W)
    out = gather_rows(table, idx3.reshape(num_rows_out))
    selected = out.reshape(B, V, K, C, H, W)
    return selected, interp.reshape(B, V, T)

# --- scband reference (transcript-rebuilt; emitter-appended) ---
"""Pipeline reference for scband-simple-frame-selector-45509473468542 (READ-ONLY COPY).

The authoritative reference and input builder live on the scoring server;
editing this copy changes nothing except your own understanding.
"""

import jax, jax.numpy as jnp
import numpy as np

NUM_FRAMES = 8
NUM_QUERIES = 1
NUM_PROBES = 4
EMBED_DIM = 768
B, V, T, C, H, W = 1, 2, 32, 3, 224, 224


def setup_inputs(seed: int = 0):
    key = jax.random.key(seed)
    ks = jax.random.split(key, 6)
    videos = jax.random.normal(ks[0], (B, V, T, C, H, W), dtype=jnp.float32)
    W_embed = jax.random.normal(ks[1], (C, EMBED_DIM), dtype=jnp.float32) * 0.02
    b_embed = jnp.zeros((EMBED_DIM,), jnp.float32)
    Wq = jax.random.normal(ks[2], (EMBED_DIM, EMBED_DIM), jnp.float32) * (1.0 / np.sqrt(EMBED_DIM))
    bq = jnp.zeros((EMBED_DIM,), jnp.float32)
    Wk = jax.random.normal(ks[3], (EMBED_DIM, EMBED_DIM), jnp.float32) * (1.0 / np.sqrt(EMBED_DIM))
    bk = jnp.zeros((EMBED_DIM,), jnp.float32)
    queries = jax.random.normal(ks[4], (1, NUM_QUERIES, EMBED_DIM), jnp.float32)
    return {"videos": videos, "queries": queries, "Wq": Wq, "bq": bq, "Wk": Wk, "bk": bk, "W_embed": W_embed, "b_embed": b_embed}


def _spline_eval(t, y, x):
    # natural cubic spline: knots t [P], values y [..., P], eval points x [T]
    P = t.shape[0]
    h = t[1:] - t[:-1]
    dy = (y[..., 1:] - y[..., :-1]) / h
    rhs = 6.0 * (dy[..., 1:] - dy[..., :-1])
    A = jnp.diag(2.0 * (h[:-1] + h[1:])) + jnp.diag(h[1:-1], 1) + jnp.diag(h[1:-1], -1)
    Minner = rhs @ jnp.linalg.inv(A).T
    zpad = jnp.zeros(y.shape[:-1] + (1,), y.dtype)
    M = jnp.concatenate([zpad, Minner, zpad], axis=-1)
    i = jnp.clip(jnp.searchsorted(t, x, side='right') - 1, 0, P - 2)
    dx = x - t[i]
    hi = h[i]
    ai = y[..., i]
    bi = dy[..., i] - hi * (2.0 * M[..., i] + M[..., i + 1]) / 6.0
    ci = M[..., i] / 2.0
    di = (M[..., i + 1] - M[..., i]) / (6.0 * hi)
    return ai + bi * dx + ci * dx ** 2 + di * dx ** 3


def _forward(videos, queries, Wq, bq, Wk, bk, W_embed, b_embed):
    Bv, Vv, Tv, Cv, Hv, Wv = videos.shape
    K = NUM_FRAMES
    probe_idxs = jnp.linspace(0.0, Tv - 1, NUM_PROBES).astype(jnp.int32)
    probes = videos[:, :, probe_idxs]
    # frozen embedding model stand-in (processor breaks grad -> stop_gradient)
    flat = jax.lax.stop_gradient(probes).reshape(Bv * Vv * NUM_PROBES, Cv, Hv, Wv)
    pooled = flat.mean(axis=(2, 3))
    emb = (pooled @ W_embed + b_embed).reshape(Bv * Vv, NUM_PROBES, EMBED_DIM)
    q = queries @ Wq + bq
    k = emb @ Wk + bk
    att = jnp.einsum('aqd,npd->nqp', q, k) * (EMBED_DIM ** -0.5)
    att = jax.nn.softmax(att, axis=-1)
    scores = att.sum(axis=1).reshape(Bv, Vv, NUM_PROBES)
    t = probe_idxs.astype(jnp.float32)
    full_idxs = jnp.arange(Tv, dtype=jnp.float32)
    interp_scores = _spline_eval(t, scores, full_idxs)  # [B,V,T]
    flat_scores = interp_scores.reshape(-1, Tv)
    _, top_idx = jax.lax.top_k(flat_scores, K)  # [B*V, K]
    w = jax.nn.one_hot(top_idx, Tv, dtype=jnp.float32)  # [B*V,K,T]
    w = jnp.transpose(w, (0, 2, 1)).reshape(Bv, Vv, Tv, K)
    w = w / jnp.maximum(jnp.sum(jnp.abs(w), axis=-1, keepdims=True), 1e-12)
    w = jnp.transpose(w, (0, 1, 3, 2))  # [B,V,K,T]
    soft = jnp.einsum('bvtchw,bvkt->bvkchw', videos, w)
    idx = jnp.argmax(jax.lax.stop_gradient(w), axis=-1)  # [B,V,K]
    idx_exp = jnp.broadcast_to(idx[..., None, None, None], (Bv, Vv, K, Cv, Hv, Wv))
    hard = jnp.take_along_axis(videos, idx_exp, axis=2)
    selected = jax.lax.stop_gradient(hard) + (soft - jax.lax.stop_gradient(soft))
    return selected, interp_scores


def reference(videos, queries, Wq, bq, Wk, bk, W_embed, b_embed):
    return _forward(videos, queries, Wq, bq, Wk, bk, W_embed, b_embed)

if __name__ == "__main__":
    import jax
    _d = setup_inputs()
    print(jax.jit(kernel)(*tuple(_d.values())))

</pallas_src>

<mosaic_0001>
#map = affine_map<(d0, d1) -> (0, 0)>
#map1 = affine_map<(d0, d1) -> (0)>
module attributes {stable_mosaic.version = 14 : i64} {
  func.func @gather_rows(%arg0: i32, %arg1: i32, %arg2: memref<12544x768xf32, #tpu.memory_space<hbm>>, %arg3: memref<3136xi32, #tpu.memory_space<hbm>>, %arg4: memref<3136x768xf32, #tpu.memory_space<hbm>>, %arg5: memref<112xi32, #tpu.memory_space<vmem>>, %arg6: memref<112x768xf32, #tpu.memory_space<vmem>>, %arg7: memref<!tpu.dma_semaphore, #tpu.memory_space<semaphore_mem>>) attributes {dimension_semantics = [#tpu.dimension_semantics<core_parallel>, #tpu.dimension_semantics<subcore_parallel>], iteration_bounds = array<i64: 2, 16>, scalar_prefetch = 0 : i64, scratch_operands = 3 : i64, tpu.core_type = #tpu.core_type<sc_vector_subcore>, window_params = [{transform_indices = #map}, {transform_indices = #map1}, {transform_indices = #map}]} {
    %mul3A = arith.constant 2 : i32
    %mul3A_0 = arith.muli %arg1, %mul3A : i32
    %add3A = arith.addi %mul3A_0, %arg0 : i32
    %mul3A_1 = arith.constant 98 : i32
    %mul3A_2 = arith.muli %add3A, %mul3A_1 : i32
    %jit3A = arith.constant 8 : i32
    %div3A = arith.divsi %mul3A_2, %jit3A : i32
    %sign3A = arith.constant 0 : i32
    %sign3A_3 = arith.cmpi sgt, %mul3A_2, %sign3A : i32
    %sign3A_4 = arith.extui %sign3A_3 : i1 to i32
    %sign3A_5 = arith.constant 0 : i32
    %sign3A_6 = arith.cmpi slt, %mul3A_2, %sign3A_5 : i32
    %sign3A_7 = arith.extui %sign3A_6 : i1 to i32
    %sign3A_8 = arith.subi %sign3A_4, %sign3A_7 : i32
    %sign3A_9 = arith.constant 0 : i32
    %sign3A_10 = arith.cmpi sgt, %jit3A, %sign3A_9 : i32
    %sign3A_11 = arith.extui %sign3A_10 : i1 to i32
    %sign3A_12 = arith.constant 0 : i32
    %sign3A_13 = arith.cmpi slt, %jit3A, %sign3A_12 : i32
    %sign3A_14 = arith.extui %sign3A_13 : i1 to i32
    %sign3A_15 = arith.subi %sign3A_11, %sign3A_14 : i32
    %ne3A = arith.cmpi ne, %sign3A_8, %sign3A_15 : i32
    %rem3A = arith.remsi %mul3A_2, %jit3A : i32
    %ne3A_16 = arith.constant 0 : i32
    %ne3A_17 = arith.cmpi ne, %rem3A, %ne3A_16 : i32
    %and3A = arith.andi %ne3A, %ne3A_17 : i1
    %sub3A = arith.constant 1 : i32
    %sub3A_18 = arith.subi %div3A, %sub3A : i32
    %select_n3A = arith.select %and3A, %sub3A_18, %div3A : i32
    %mul3A_19 = arith.constant 8 : i32
    %mul3A_20 = arith.muli %select_n3A, %mul3A_19 : i32
    %min3A = arith.constant 3024 : i32
    %min3A_21 = arith.minsi %mul3A_20, %min3A : i32
    %multiple_of3A = tpu.assume_multiple %min3A_21, 8 : i32
    "tpu.region"() ({
      %run_scoped3A = tpu.sem_alloc : memref<!tpu.dma_semaphore, #tpu.memory_space<semaphore_mem>>
      %dma_start3A_26 = tpu.memref_slice %arg3[%multiple_of3A] : memref<3136xi32, #tpu.memory_space<hbm>> -> memref<112xi32, #tpu.memory_space<hbm>>
      %dma_start3A_27 = tpu.memref_slice %arg3[%multiple_of3A] : memref<3136xi32, #tpu.memory_space<hbm>> -> memref<112xi32, #tpu.memory_space<hbm>>
      tpu.enqueue_dma source(%dma_start3A_27 : memref<112xi32, #tpu.memory_space<hbm>>) target(%arg5 : memref<112xi32, #tpu.memory_space<vmem>>) target_semaphore(%run_scoped3A : memref<!tpu.dma_semaphore, #tpu.memory_space<semaphore_mem>>)
      %dma_wait3A_28 = tpu.memref_slice %arg3[%multiple_of3A] : memref<3136xi32, #tpu.memory_space<hbm>> -> memref<112xi32, #tpu.memory_space<hbm>>
      %dma_wait3A_29 = tpu.memref_slice %arg3[%multiple_of3A] : memref<3136xi32, #tpu.memory_space<hbm>> -> memref<112xi32, #tpu.memory_space<hbm>>
      tpu.wait_dma2 semaphore(%run_scoped3A : memref<!tpu.dma_semaphore, #tpu.memory_space<semaphore_mem>>) src(%dma_wait3A_29 : memref<112xi32, #tpu.memory_space<hbm>>) dst(%arg5 : memref<112xi32, #tpu.memory_space<vmem>>)
      tpu.yield
    }) : () -> ()
    %dma_start3A = arith.constant 0 : i32
    %dma_start3A_22 = arith.constant 0 : i32
    %dma_start3A_23 = tpu.memref_slice %arg2[%dma_start3A, %dma_start3A_22] : memref<12544x768xf32, #tpu.memory_space<hbm>> -> memref<12544x768xf32, #tpu.memory_space<hbm>>
    tpu.enqueue_indirect_dma source(%dma_start3A_23 : memref<12544x768xf32, #tpu.memory_space<hbm>>) target(%arg6 : memref<112x768xf32, #tpu.memory_space<vmem>>) offsets(%arg5 : memref<112xi32, #tpu.memory_space<vmem>>) semaphore(%arg7 : memref<!tpu.dma_semaphore, #tpu.memory_space<semaphore_mem>>)
    %dma_wait3A = arith.constant 0 : i32
    %dma_wait3A_24 = arith.constant 0 : i32
    %dma_wait3A_25 = tpu.memref_slice %arg2[%dma_wait3A, %dma_wait3A_24] : memref<12544x768xf32, #tpu.memory_space<hbm>> -> memref<12544x768xf32, #tpu.memory_space<hbm>>
    tpu.wait_indirect_dma semaphore(%arg7 : memref<!tpu.dma_semaphore, #tpu.memory_space<semaphore_mem>>) src(%dma_wait3A_25 : memref<12544x768xf32, #tpu.memory_space<hbm>>) dst(%arg6 : memref<112x768xf32, #tpu.memory_space<vmem>>)
    "tpu.region"() ({
      %run_scoped3A = tpu.sem_alloc : memref<!tpu.dma_semaphore, #tpu.memory_space<semaphore_mem>>
      %dma_start3A_26 = arith.constant 0 : i32
      %dma_start3A_27 = tpu.memref_slice %arg4[%multiple_of3A, %dma_start3A_26] : memref<3136x768xf32, #tpu.memory_space<hbm>> -> memref<112x768xf32, #tpu.memory_space<hbm>>
      %dma_start3A_28 = arith.constant 0 : i32
      %dma_start3A_29 = tpu.memref_slice %arg4[%multiple_of3A, %dma_start3A_28] : memref<3136x768xf32, #tpu.memory_space<hbm>> -> memref<112x768xf32, #tpu.memory_space<hbm>>
      tpu.enqueue_dma source(%arg6 : memref<112x768xf32, #tpu.memory_space<vmem>>) target(%dma_start3A_29 : memref<112x768xf32, #tpu.memory_space<hbm>>) target_semaphore(%run_scoped3A : memref<!tpu.dma_semaphore, #tpu.memory_space<semaphore_mem>>)
      %dma_wait3A_30 = arith.constant 0 : i32
      %dma_wait3A_31 = tpu.memref_slice %arg4[%multiple_of3A, %dma_wait3A_30] : memref<3136x768xf32, #tpu.memory_space<hbm>> -> memref<112x768xf32, #tpu.memory_space<hbm>>
      %dma_wait3A_32 = arith.constant 0 : i32
      %dma_wait3A_33 = tpu.memref_slice %arg4[%multiple_of3A, %dma_wait3A_32] : memref<3136x768xf32, #tpu.memory_space<hbm>> -> memref<112x768xf32, #tpu.memory_space<hbm>>
      tpu.wait_dma2 semaphore(%run_scoped3A : memref<!tpu.dma_semaphore, #tpu.memory_space<semaphore_mem>>) src(%arg6 : memref<112x768xf32, #tpu.memory_space<vmem>>) dst(%dma_wait3A_33 : memref<112x768xf32, #tpu.memory_space<hbm>>)
      tpu.yield
    }) : () -> ()
    return
  }
}

module attributes {stable_mosaic.version = 14 : i64} {
  func.func @_score_body(%arg0: i32, %arg1: memref<8xi32, #tpu.memory_space<smem>>, %arg2: memref<1x3x50176xf32, #tpu.memory_space<vmem>>, %arg3: memref<3x768xf32, #tpu.memory_space<vmem>>, %arg4: memref<1x768xf32, #tpu.memory_space<vmem>>, %arg5: memref<1x768xf32, #tpu.memory_space<vmem>>, %arg6: memref<768x768xf32, #tpu.memory_space<vmem>>, %arg7: memref<1x768xf32, #tpu.memory_space<vmem>>, %arg8: memref<768x768xf32, #tpu.memory_space<vmem>>, %arg9: memref<1x768xf32, #tpu.memory_space<vmem>>, %arg10: memref<2x32xf32, #tpu.memory_space<vmem>>, %arg11: memref<2x8x196xi32, #tpu.memory_space<vmem>>, %arg12: memref<8x3xf32, #tpu.memory_space<vmem>>) attributes {dimension_semantics = [#tpu.dimension_semantics<arbitrary>], iteration_bounds = array<i64: 8>, scalar_prefetch = 1 : i64, scratch_operands = 1 : i64, tpu.core_type = #tpu.core_type<tc>, window_params = [{transform_indices = @transform_0, window_bounds = array<i64: 1, 3, 50176>}, {pipeline_mode = #tpu.pipeline_mode<synchronous>, transform_indices = @transform_1, window_bounds = array<i64: 3, 768>}, {pipeline_mode = #tpu.pipeline_mode<synchronous>, transform_indices = @transform_2, window_bounds = array<i64: 1, 768>}, {pipeline_mode = #tpu.pipeline_mode<synchronous>, transform_indices = @transform_3, window_bounds = array<i64: 1, 768>}, {pipeline_mode = #tpu.pipeline_mode<synchronous>, transform_indices = @transform_4, window_bounds = array<i64: 768, 768>}, {pipeline_mode = #tpu.pipeline_mode<synchronous>, transform_indices = @transform_5, window_bounds = array<i64: 1, 768>}, {pipeline_mode = #tpu.pipeline_mode<synchronous>, transform_indices = @transform_6, window_bounds = array<i64: 768, 768>}, {pipeline_mode = #tpu.pipeline_mode<synchronous>, transform_indices = @transform_7, window_bounds = array<i64: 1, 768>}, {pipeline_mode = #tpu.pipeline_mode<synchronous>, transform_indices = @transform_8, window_bounds = array<i64: 2, 32>}, {pipeline_mode = #tpu.pipeline_mode<synchronous>, transform_indices = @transform_9, window_bounds = array<i64: 2, 8, 196>}]} {
    %get3A = arith.constant 0 : index
    %get3A_0 = arith.constant 0 : index
    %get3A_1 = arith.constant 0 : index
    %get3A_2 = vector.load %arg2[%get3A, %get3A_0, %get3A_1] : memref<1x3x50176xf32, #tpu.memory_space<vmem>>, vector<1x3x50176xf32>
    %reduce_sum3A = arith.constant dense<0.000000e+00> : vector<1x3xf32>
    %reduce_sum3A_3 = vector.multi_reduction <add>, %get3A_2, %reduce_sum3A [2] : vector<1x3x50176xf32> to vector<1x3xf32>
    %mul3A = arith.constant 1.99298465E-5 : f32
    %mul3A_4 = vector.broadcast %mul3A : f32 to vector<1x3xf32>
    %mul3A_5 = arith.mulf %reduce_sum3A_3, %mul3A_4 : vector<1x3xf32>
    %swap3A = arith.index_cast %arg0 : i32 to index
    %swap3A_6 = arith.constant 0 : index
    %swap3A_7 = vector.load %arg12[%swap3A, %swap3A_6] : memref<8x3xf32, #tpu.memory_space<vmem>>, vector<1x3xf32>
    tpu.vector_store %arg12[%swap3A, %swap3A_6], %mul3A_5 {strides = array<i32>} : memref<8x3xf32, #tpu.memory_space<vmem>>, vector<1x3xf32>,
    %eq3A = arith.constant 7 : i32
    %eq3A_8 = arith.cmpi eq, %arg0, %eq3A : i32
    %convert_element_type3A = arith.extui %eq3A_8 : i1 to i32
    %cond3A = arith.constant 0 : i32
    %cond3A_9 = arith.cmpi ne, %convert_element_type3A, %cond3A : i32
    scf.if %cond3A_9 {
      %get3A_10 = arith.constant 0 : index
      %get3A_11 = arith.constant 0 : index
      %get3A_12 = vector.load %arg12[%get3A_10, %get3A_11] : memref<8x3xf32, #tpu.memory_space<vmem>>, vector<8x3xf32>
      %get3A_13 = arith.constant 0 : index
      %get3A_14 = arith.constant 0 : index
      %get3A_15 = vector.load %arg3[%get3A_13, %get3A_14] : memref<3x768xf32, #tpu.memory_space<vmem>>, vector<3x768xf32>
      %dot_general3A = arith.constant dense<0.000000e+00> : vector<8x768xf32>
      %dot_general3A_16 = tpu.matmul %get3A_12, %get3A_15, %dot_general3A {dimension_numbers = #tpu.dot_dimension_numbers<[1], [0], [0], [1], [0, 0, 1, 1], [], []>, transpose_lhs_hint = false} : vector<8x3xf32>, vector<3x768xf32>, vector<8x768xf32> -> vector<8x768xf32>
      %get3A_17 = arith.constant 0 : index
      %get3A_18 = arith.constant 0 : index
      %get3A_19 = vector.load %arg4[%get3A_17, %get3A_18] : memref<1x768xf32, #tpu.memory_space<vmem>>, vector<1x768xf32>
      %add3A = vector.broadcast %get3A_19 : vector<1x768xf32> to vector<8x768xf32>
      %add3A_20 = arith.addf %dot_general3A_16, %add3A : vector<8x768xf32>
      %get3A_21 = arith.constant 0 : index
      %get3A_22 = arith.constant 0 : index
      %get3A_23 = vector.load %arg5[%get3A_21, %get3A_22] : memref<1x768xf32, #tpu.memory_space<vmem>>, vector<1x768xf32>
      %get3A_24 = arith.constant 0 : index
      %get3A_25 = arith.constant 0 : index
      %get3A_26 = vector.load %arg6[%get3A_24, %get3A_25] : memref<768x768xf32, #tpu.memory_space<vmem>>, vector<768x768xf32>
      %dot_general3A_27 = arith.constant dense<0.000000e+00> : vector<1x768xf32>
      %dot_general3A_28 = tpu.matmul %get3A_23, %get3A_26, %dot_general3A_27 {dimension_numbers = #tpu.dot_dimension_numbers<[1], [0], [0], [1], [0, 0, 1, 1], [], []>, transpose_lhs_hint = false} : vector<1x768xf32>, vector<768x768xf32>, vector<1x768xf32> -> vector<1x768xf32>
      %get3A_29 = arith.constant 0 : index
      %get3A_30 = arith.constant 0 : index
      %get3A_31 = vector.load %arg7[%get3A_29, %get3A_30] : memref<1x768xf32, #tpu.memory_space<vmem>>, vector<1x768xf32>
      %add3A_32 = arith.addf %dot_general3A_28, %get3A_31 : vector<1x768xf32>
      %get3A_33 = arith.constant 0 : index
      %get3A_34 = arith.constant 0 : index
      %get3A_35 = vector.load %arg8[%get3A_33, %get3A_34] : memref<768x768xf32, #tpu.memory_space<vmem>>, vector<768x768xf32>
      %dot_general3A_36 = arith.constant dense<0.000000e+00> : vector<8x768xf32>
      %dot_general3A_37 = tpu.matmul %add3A_20, %get3A_35, %dot_general3A_36 {dimension_numbers = #tpu.dot_dimension_numbers<[1], [0], [0], [1], [0, 0, 1, 1], [], []>, transpose_lhs_hint = false} : vector<8x768xf32>, vector<768x768xf32>, vector<8x768xf32> -> vector<8x768xf32>
      %get3A_38 = arith.constant 0 : index
      %get3A_39 = arith.constant 0 : index
      %get3A_40 = vector.load %arg9[%get3A_38, %get3A_39] : memref<1x768xf32, #tpu.memory_space<vmem>>, vector<1x768xf32>
      %add3A_41 = vector.broadcast %get3A_40 : vector<1x768xf32> to vector<8x768xf32>
      %add3A_42 = arith.addf %dot_general3A_37, %add3A_41 : vector<8x768xf32>
      %convert_element_type3A_43 = arith.truncf %add3A_42 : vector<8x768xf32> to vector<8x768xbf16>
      %convert_element_type3A_44 = arith.extf %convert_element_type3A_43 : vector<8x768xbf16> to vector<8x768xf32>
      %convert_element_type3A_45 = arith.truncf %add3A_32 : vector<1x768xf32> to vector<1x768xbf16>
      %convert_element_type3A_46 = arith.extf %convert_element_type3A_45 : vector<1x768xbf16> to vector<1x768xf32>
      %mul3A_47 = vector.broadcast %convert_element_type3A_46 : vector<1x768xf32> to vector<8x768xf32>
      %mul3A_48 = arith.mulf %convert_element_type3A_44, %mul3A_47 : vector<8x768xf32>
      %reduce_sum3A_49 = arith.constant dense<0.000000e+00> : vector<8xf32>
      %reduce_sum3A_50 = vector.multi_reduction <add>, %mul3A_48, %reduce_sum3A_49 [1] : vector<8x768xf32> to vector<8xf32>
      %broadcast_in_dim3A = vector.shape_cast %reduce_sum3A_50 : vector<8xf32> to vector<8x1xf32>
      %mul3A_51 = arith.constant 0.0360843912 : f32
      %mul3A_52 = vector.broadcast %mul3A_51 : f32 to vector<8x1xf32>
      %mul3A_53 = arith.mulf %broadcast_in_dim3A, %mul3A_52 : vector<8x1xf32>
      %reshape3A = vector.shape_cast %mul3A_53 : vector<8x1xf32> to vector<2x4xf32>
      %reduce_max3A = arith.constant dense<0xFF800000> : vector<2xf32>
      %reduce_max3A_54 = vector.multi_reduction <maximumf>, %reshape3A, %reduce_max3A [1] : vector<2x4xf32> to vector<2xf32>
      %broadcast_in_dim3A_55 = vector.shape_cast %reduce_max3A_54 : vector<2xf32> to vector<2x1xf32>
      %sub3A = vector.broadcast %broadcast_in_dim3A_55 : vector<2x1xf32> to vector<2x4xf32>
      %sub3A_56 = arith.subf %reshape3A, %sub3A : vector<2x4xf32>
      %exp3A = math.exp %sub3A_56 : vector<2x4xf32>
      %reduce_sum3A_57 = arith.constant dense<0.000000e+00> : vector<2xf32>
      %reduce_sum3A_58 = vector.multi_reduction <add>, %exp3A, %reduce_sum3A_57 [1] : vector<2x4xf32> to vector<2xf32>
      %broadcast_in_dim3A_59 = vector.shape_cast %reduce_sum3A_58 : vector<2xf32> to vector<2x1xf32>
      %div3A = vector.broadcast %broadcast_in_dim3A_59 : vector<2x1xf32> to vector<2x4xf32>
      %div3A_60 = arith.divf %exp3A, %div3A : vector<2x4xf32>
      %slice3A = vector.extract_strided_slice %div3A_60 {offsets = [0, 1], sizes = [2, 1], strides = [1, 1]} : vector<2x4xf32> to vector<2x1xf32>
      %slice3A_61 = vector.extract_strided_slice %div3A_60 {offsets = [0, 0], sizes = [2, 1], strides = [1, 1]} : vector<2x4xf32> to vector<2x1xf32>
      %sub3A_62 = arith.subf %slice3A, %slice3A_61 : vector<2x1xf32>
      %div3A_63 = arith.constant 1.000000e+01 : f32
      %div3A_64 = vector.broadcast %div3A_63 : f32 to vector<2x1xf32>
      %div3A_65 = arith.divf %sub3A_62, %div3A_64 : vector<2x1xf32>
      %slice3A_66 = vector.extract_strided_slice %div3A_60 {offsets = [0, 2], sizes = [2, 1], strides = [1, 1]} : vector<2x4xf32> to vector<2x1xf32>
      %slice3A_67 = vector.extract_strided_slice %div3A_60 {offsets = [0, 1], sizes = [2, 1], strides = [1, 1]} : vector<2x4xf32> to vector<2x1xf32>
      %sub3A_68 = arith.subf %slice3A_66, %slice3A_67 : vector<2x1xf32>
      %div3A_69 = arith.constant 1.000000e+01 : f32
      %div3A_70 = vector.broadcast %div3A_69 : f32 to vector<2x1xf32>
      %div3A_71 = arith.divf %sub3A_68, %div3A_70 : vector<2x1xf32>
      %slice3A_72 = vector.extract_strided_slice %div3A_60 {offsets = [0, 3], sizes = [2, 1], strides = [1, 1]} : vector<2x4xf32> to vector<2x1xf32>
      %slice3A_73 = vector.extract_strided_slice %div3A_60 {offsets = [0, 2], sizes = [2, 1], strides = [1, 1]} : vector<2x4xf32> to vector<2x1xf32>
      %sub3A_74 = arith.subf %slice3A_72, %slice3A_73 : vector<2x1xf32>
      %div3A_75 = arith.constant 1.100000e+01 : f32
      %div3A_76 = vector.broadcast %div3A_75 : f32 to vector<2x1xf32>
      %div3A_77 = arith.divf %sub3A_74, %div3A_76 : vector<2x1xf32>
      %sub3A_78 = arith.subf %div3A_71, %div3A_65 : vector<2x1xf32>
      %mul3A_79 = arith.constant 6.000000e+00 : f32
      %mul3A_80 = vector.broadcast %mul3A_79 : f32 to vector<2x1xf32>
      %mul3A_81 = arith.mulf %mul3A_80, %sub3A_78 : vector<2x1xf32>
      %sub3A_82 = arith.subf %div3A_77, %div3A_71 : vector<2x1xf32>
      %mul3A_83 = arith.constant 6.000000e+00 : f32
      %mul3A_84 = vector.broadcast %mul3A_83 : f32 to vector<2x1xf32>
      %mul3A_85 = arith.mulf %mul3A_84, %sub3A_82 : vector<2x1xf32>
      %convert_element_type3A_86 = arith.truncf %mul3A_81 : vector<2x1xf32> to vector<2x1xbf16>
      %convert_element_type3A_87 = arith.extf %convert_element_type3A_86 : vector<2x1xbf16> to vector<2x1xf32>
      %convert_element_type3A_88 = arith.truncf %mul3A_85 : vector<2x1xf32> to vector<2x1xbf16>
      %convert_element_type3A_89 = arith.extf %convert_element_type3A_88 : vector<2x1xbf16> to vector<2x1xf32>
      %broadcast_in_dim3A_90 = arith.constant 0.000000e+00 : f32
      %broadcast_in_dim3A_91 = vector.broadcast %broadcast_in_dim3A_90 : f32 to vector<2x1xf32>
      %mul3A_92 = arith.constant 0.0266113281 : f32
      %mul3A_93 = vector.broadcast %mul3A_92 : f32 to vector<2x1xf32>
      %mul3A_94 = arith.mulf %convert_element_type3A_87, %mul3A_93 : vector<2x1xf32>
      %add3A_95 = arith.constant 0.000000e+00 : f32
      %add3A_96 = vector.broadcast %add3A_95 : f32 to vector<2x1xf32>
      %add3A_97 = arith.addf %add3A_96, %mul3A_94 : vector<2x1xf32>
      %mul3A_98 = arith.constant -0.00631713867 : f32
      %mul3A_99 = vector.broadcast %mul3A_98 : f32 to vector<2x1xf32>
      %mul3A_100 = arith.mulf %convert_element_type3A_89, %mul3A_99 : vector<2x1xf32>
      %add3A_101 = arith.addf %add3A_97, %mul3A_100 : vector<2x1xf32>
      %mul3A_102 = arith.constant -0.00631713867 : f32
      %mul3A_103 = vector.broadcast %mul3A_102 : f32 to vector<2x1xf32>
      %mul3A_104 = arith.mulf %convert_element_type3A_87, %mul3A_103 : vector<2x1xf32>
      %add3A_105 = arith.constant 0.000000e+00 : f32
      %add3A_106 = vector.broadcast %add3A_105 : f32 to vector<2x1xf32>
      %add3A_107 = arith.addf %add3A_106, %mul3A_104 : vector<2x1xf32>
      %mul3A_108 = arith.constant 0.0252685547 : f32
      %mul3A_109 = vector.broadcast %mul3A_108 : f32 to vector<2x1xf32>
      %mul3A_110 = arith.mulf %convert_element_type3A_89, %mul3A_109 : vector<2x1xf32>
      %add3A_111 = arith.addf %add3A_107, %mul3A_110 : vector<2x1xf32>
      %iota3A = tpu.iota {dimensions = array<i32: 1>} : vector<2x32xi32>
      %convert_element_type3A_112 = arith.sitofp %iota3A : vector<2x32xi32> to vector<2x32xf32>
      %broadcast_in_dim3A_113 = arith.constant 0.000000e+00 : f32
      %broadcast_in_dim3A_114 = vector.broadcast %broadcast_in_dim3A_113 : f32 to vector<2x32xf32>
      %lt3A = arith.constant 10 : i32
      %lt3A_115 = vector.broadcast %lt3A : i32 to vector<2x32xi32>
      %lt3A_116 = arith.cmpi slt, %iota3A, %lt3A_115 : vector<2x32xi32>
      %slice3A_117 = vector.extract_strided_slice %div3A_60 {offsets = [0, 0], sizes = [2, 1], strides = [1, 1]} : vector<2x4xf32> to vector<2x1xf32>
      %mul3A_118 = arith.constant 2.000000e+00 : f32
      %mul3A_119 = vector.broadcast %mul3A_118 : f32 to vector<2x1xf32>
      %mul3A_120 = arith.mulf %mul3A_119, %broadcast_in_dim3A_91 : vector<2x1xf32>
      %add3A_121 = arith.addf %mul3A_120, %add3A_101 : vector<2x1xf32>
      %mul3A_122 = arith.constant 1.000000e+01 : f32
      %mul3A_123 = vector.broadcast %mul3A_122 : f32 to vector<2x1xf32>
      %mul3A_124 = arith.mulf %mul3A_123, %add3A_121 : vector<2x1xf32>
      %div3A_125 = arith.constant 6.000000e+00 : f32
      %div3A_126 = vector.broadcast %div3A_125 : f32 to vector<2x1xf32>
      %div3A_127 = arith.divf %mul3A_124, %div3A_126 : vector<2x1xf32>
      %sub3A_128 = arith.subf %div3A_65, %div3A_127 : vector<2x1xf32>
      %div3A_129 = arith.constant 2.000000e+00 : f32
      %div3A_130 = vector.broadcast %div3A_129 : f32 to vector<2x1xf32>
      %div3A_131 = arith.divf %broadcast_in_dim3A_91, %div3A_130 : vector<2x1xf32>
      %sub3A_132 = arith.subf %add3A_101, %broadcast_in_dim3A_91 : vector<2x1xf32>
      %div3A_133 = arith.constant 6.000000e+01 : f32
      %div3A_134 = vector.broadcast %div3A_133 : f32 to vector<2x1xf32>
      %div3A_135 = arith.divf %sub3A_132, %div3A_134 : vector<2x1xf32>
      %sub3A_136 = arith.constant 0.000000e+00 : f32
      %sub3A_137 = vector.broadcast %sub3A_136 : f32 to vector<2x32xf32>
      %sub3A_138 = arith.subf %convert_element_type3A_112, %sub3A_137 : vector<2x32xf32>
      %mul3A_139 = vector.broadcast %sub3A_128 : vector<2x1xf32> to vector<2x32xf32>
      %mul3A_140 = arith.mulf %mul3A_139, %sub3A_138 : vector<2x32xf32>
      %add3A_141 = vector.broadcast %slice3A_117 : vector<2x1xf32> to vector<2x32xf32>
      %add3A_142 = arith.addf %add3A_141, %mul3A_140 : vector<2x32xf32>
      %integer_pow3A = arith.mulf %sub3A_138, %sub3A_138 : vector<2x32xf32>
      %mul3A_143 = vector.broadcast %div3A_131 : vector<2x1xf32> to vector<2x32xf32>
      %mul3A_144 = arith.mulf %mul3A_143, %integer_pow3A : vector<2x32xf32>
      %add3A_145 = arith.addf %add3A_142, %mul3A_144 : vector<2x32xf32>
      %integer_pow3A_146 = arith.mulf %sub3A_138, %sub3A_138 : vector<2x32xf32>
      %integer_pow3A_147 = arith.mulf %sub3A_138, %integer_pow3A_146 : vector<2x32xf32>
      %mul3A_148 = vector.broadcast %div3A_135 : vector<2x1xf32> to vector<2x32xf32>
      %mul3A_149 = arith.mulf %mul3A_148, %integer_pow3A_147 : vector<2x32xf32>
      %add3A_150 = arith.addf %add3A_145, %mul3A_149 : vector<2x32xf32>
      %select_n3A = arith.select %lt3A_116, %add3A_150, %broadcast_in_dim3A_114 : vector<2x32xi1>, vector<2x32xf32>
      %ge3A = arith.constant 10 : i32
      %ge3A_151 = vector.broadcast %ge3A : i32 to vector<2x32xi32>
      %ge3A_152 = arith.cmpi sge, %iota3A, %ge3A_151 : vector<2x32xi32>
      %lt3A_153 = arith.constant 20 : i32
      %lt3A_154 = vector.broadcast %lt3A_153 : i32 to vector<2x32xi32>
      %lt3A_155 = arith.cmpi slt, %iota3A, %lt3A_154 : vector<2x32xi32>
      %and3A = arith.andi %ge3A_152, %lt3A_155 : vector<2x32xi1>
      %slice3A_156 = vector.extract_strided_slice %div3A_60 {offsets = [0, 1], sizes = [2, 1], strides = [1, 1]} : vector<2x4xf32> to vector<2x1xf32>
      %mul3A_157 = arith.constant 2.000000e+00 : f32
      %mul3A_158 = vector.broadcast %mul3A_157 : f32 to vector<2x1xf32>
      %mul3A_159 = arith.mulf %mul3A_158, %add3A_101 : vector<2x1xf32>
      %add3A_160 = arith.addf %mul3A_159, %add3A_111 : vector<2x1xf32>
      %mul3A_161 = arith.constant 1.000000e+01 : f32
      %mul3A_162 = vector.broadcast %mul3A_161 : f32 to vector<2x1xf32>
      %mul3A_163 = arith.mulf %mul3A_162, %add3A_160 : vector<2x1xf32>
      %div3A_164 = arith.constant 6.000000e+00 : f32
      %div3A_165 = vector.broadcast %div3A_164 : f32 to vector<2x1xf32>
      %div3A_166 = arith.divf %mul3A_163, %div3A_165 : vector<2x1xf32>
      %sub3A_167 = arith.subf %div3A_71, %div3A_166 : vector<2x1xf32>
      %div3A_168 = arith.constant 2.000000e+00 : f32
      %div3A_169 = vector.broadcast %div3A_168 : f32 to vector<2x1xf32>
      %div3A_170 = arith.divf %add3A_101, %div3A_169 : vector<2x1xf32>
      %sub3A_171 = arith.subf %add3A_111, %add3A_101 : vector<2x1xf32>
      %div3A_172 = arith.constant 6.000000e+01 : f32
      %div3A_173 = vector.broadcast %div3A_172 : f32 to vector<2x1xf32>
      %div3A_174 = arith.divf %sub3A_171, %div3A_173 : vector<2x1xf32>
      %sub3A_175 = arith.constant 1.000000e+01 : f32
      %sub3A_176 = vector.broadcast %sub3A_175 : f32 to vector<2x32xf32>
      %sub3A_177 = arith.subf %convert_element_type3A_112, %sub3A_176 : vector<2x32xf32>
      %mul3A_178 = vector.broadcast %sub3A_167 : vector<2x1xf32> to vector<2x32xf32>
      %mul3A_179 = arith.mulf %mul3A_178, %sub3A_177 : vector<2x32xf32>
      %add3A_180 = vector.broadcast %slice3A_156 : vector<2x1xf32> to vector<2x32xf32>
      %add3A_181 = arith.addf %add3A_180, %mul3A_179 : vector<2x32xf32>
      %integer_pow3A_182 = arith.mulf %sub3A_177, %sub3A_177 : vector<2x32xf32>
      %mul3A_183 = vector.broadcast %div3A_170 : vector<2x1xf32> to vector<2x32xf32>
      %mul3A_184 = arith.mulf %mul3A_183, %integer_pow3A_182 : vector<2x32xf32>
      %add3A_185 = arith.addf %add3A_181, %mul3A_184 : vector<2x32xf32>
      %integer_pow3A_186 = arith.mulf %sub3A_177, %sub3A_177 : vector<2x32xf32>
      %integer_pow3A_187 = arith.mulf %sub3A_177, %integer_pow3A_186 : vector<2x32xf32>
      %mul3A_188 = vector.broadcast %div3A_174 : vector<2x1xf32> to vector<2x32xf32>
      %mul3A_189 = arith.mulf %mul3A_188, %integer_pow3A_187 : vector<2x32xf32>
      %add3A_190 = arith.addf %add3A_185, %mul3A_189 : vector<2x32xf32>
      %select_n3A_191 = arith.select %and3A, %add3A_190, %select_n3A : vector<2x32xi1>, vector<2x32xf32>
      %ge3A_192 = arith.constant 20 : i32
      %ge3A_193 = vector.broadcast %ge3A_192 : i32 to vector<2x32xi32>
      %ge3A_194 = arith.cmpi sge, %iota3A, %ge3A_193 : vector<2x32xi32>
      %slice3A_195 = vector.extract_strided_slice %div3A_60 {offsets = [0, 2], sizes = [2, 1], strides = [1, 1]} : vector<2x4xf32> to vector<2x1xf32>
      %mul3A_196 = arith.constant 2.000000e+00 : f32
      %mul3A_197 = vector.broadcast %mul3A_196 : f32 to vector<2x1xf32>
      %mul3A_198 = arith.mulf %mul3A_197, %add3A_111 : vector<2x1xf32>
      %add3A_199 = arith.addf %mul3A_198, %broadcast_in_dim3A_91 : vector<2x1xf32>
      %mul3A_200 = arith.constant 1.100000e+01 : f32
      %mul3A_201 = vector.broadcast %mul3A_200 : f32 to vector<2x1xf32>
      %mul3A_202 = arith.mulf %mul3A_201, %add3A_199 : vector<2x1xf32>
      %div3A_203 = arith.constant 6.000000e+00 : f32
      %div3A_204 = vector.broadcast %div3A_203 : f32 to vector<2x1xf32>
      %div3A_205 = arith.divf %mul3A_202, %div3A_204 : vector<2x1xf32>
      %sub3A_206 = arith.subf %div3A_77, %div3A_205 : vector<2x1xf32>
      %div3A_207 = arith.constant 2.000000e+00 : f32
      %div3A_208 = vector.broadcast %div3A_207 : f32 to vector<2x1xf32>
      %div3A_209 = arith.divf %add3A_111, %div3A_208 : vector<2x1xf32>
      %sub3A_210 = arith.subf %broadcast_in_dim3A_91, %add3A_111 : vector<2x1xf32>
      %div3A_211 = arith.constant 6.600000e+01 : f32
      %div3A_212 = vector.broadcast %div3A_211 : f32 to vector<2x1xf32>
      %div3A_213 = arith.divf %sub3A_210, %div3A_212 : vector<2x1xf32>
      %sub3A_214 = arith.constant 2.000000e+01 : f32
      %sub3A_215 = vector.broadcast %sub3A_214 : f32 to vector<2x32xf32>
      %sub3A_216 = arith.subf %convert_element_type3A_112, %sub3A_215 : vector<2x32xf32>
      %mul3A_217 = vector.broadcast %sub3A_206 : vector<2x1xf32> to vector<2x32xf32>
      %mul3A_218 = arith.mulf %mul3A_217, %sub3A_216 : vector<2x32xf32>
      %add3A_219 = vector.broadcast %slice3A_195 : vector<2x1xf32> to vector<2x32xf32>
      %add3A_220 = arith.addf %add3A_219, %mul3A_218 : vector<2x32xf32>
      %integer_pow3A_221 = arith.mulf %sub3A_216, %sub3A_216 : vector<2x32xf32>
      %mul3A_222 = vector.broadcast %div3A_209 : vector<2x1xf32> to vector<2x32xf32>
      %mul3A_223 = arith.mulf %mul3A_222, %integer_pow3A_221 : vector<2x32xf32>
      %add3A_224 = arith.addf %add3A_220, %mul3A_223 : vector<2x32xf32>
      %integer_pow3A_225 = arith.mulf %sub3A_216, %sub3A_216 : vector<2x32xf32>
      %integer_pow3A_226 = arith.mulf %sub3A_216, %integer_pow3A_225 : vector<2x32xf32>
      %mul3A_227 = vector.broadcast %div3A_213 : vector<2x1xf32> to vector<2x32xf32>
      %mul3A_228 = arith.mulf %mul3A_227, %integer_pow3A_226 : vector<2x32xf32>
      %add3A_229 = arith.addf %add3A_224, %mul3A_228 : vector<2x32xf32>
      %select_n3A_230 = arith.select %ge3A_194, %add3A_229, %select_n3A_191 : vector<2x32xi1>, vector<2x32xf32>
      %swap3A_231 = arith.constant 0 : index
      %swap3A_232 = arith.constant 0 : index
      %swap3A_233 = vector.load %arg10[%swap3A_231, %swap3A_232] : memref<2x32xf32, #tpu.memory_space<vmem>>, vector<2x32xf32>
      tpu.vector_store %arg10[%swap3A_231, %swap3A_232], %select_n3A_230 {strides = array<i32>} : memref<2x32xf32, #tpu.memory_space<vmem>>, vector<2x32xf32>,
      %iota3A_234 = tpu.iota {dimensions = array<i32: 1>} : vector<2x32xi32>
      %reduce_max3A_235 = arith.constant dense<0xFF800000> : vector<2xf32>
      %reduce_max3A_236 = vector.multi_reduction <maximumf>, %select_n3A_230, %reduce_max3A_235 [1] : vector<2x32xf32> to vector<2xf32>
      %broadcast_in_dim3A_237 = vector.shape_cast %reduce_max3A_236 : vector<2xf32> to vector<2x1xf32>
      %eq3A_238 = vector.broadcast %broadcast_in_dim3A_237 : vector<2x1xf32> to vector<2x32xf32>
      %eq3A_239 = arith.cmpf oeq, %select_n3A_230, %eq3A_238 : vector<2x32xf32>
      %jit3A = arith.constant 32 : i32
      %broadcast_in_dim3A_240 = vector.broadcast %jit3A : i32 to vector<2x32xi32>
      %select_n3A_241 = arith.select %eq3A_239, %iota3A_234, %broadcast_in_dim3A_240 : vector<2x32xi1>, vector<2x32xi32>
      %reduce_min3A = arith.constant dense<2147483647> : vector<2xi32>
      %reduce_min3A_242 = vector.multi_reduction <minsi>, %select_n3A_241, %reduce_min3A [1] : vector<2x32xi32> to vector<2xi32>
      %broadcast_in_dim3A_243 = vector.shape_cast %reduce_min3A_242 : vector<2xi32> to vector<2x1xi32>
      %eq3A_244 = vector.broadcast %broadcast_in_dim3A_243 : vector<2x1xi32> to vector<2x32xi32>
      %eq3A_245 = arith.cmpi eq, %iota3A_234, %eq3A_244 : vector<2x32xi32>
      %jit3A_246 = arith.constant 0xFF800000 : f32
      %broadcast_in_dim3A_247 = vector.broadcast %jit3A_246 : f32 to vector<2x32xf32>
      %select_n3A_248 = arith.select %eq3A_245, %broadcast_in_dim3A_247, %select_n3A_230 : vector<2x32xi1>, vector<2x32xf32>
      %reduce_max3A_249 = arith.constant dense<0xFF800000> : vector<2xf32>
      %reduce_max3A_250 = vector.multi_reduction <maximumf>, %select_n3A_248, %reduce_max3A_249 [1] : vector<2x32xf32> to vector<2xf32>
      %broadcast_in_dim3A_251 = vector.shape_cast %reduce_max3A_250 : vector<2xf32> to vector<2x1xf32>
      %eq3A_252 = vector.broadcast %broadcast_in_dim3A_251 : vector<2x1xf32> to vector<2x32xf32>
      %eq3A_253 = arith.cmpf oeq, %select_n3A_248, %eq3A_252 : vector<2x32xf32>
      %jit3A_254 = arith.constant 32 : i32
      %broadcast_in_dim3A_255 = vector.broadcast %jit3A_254 : i32 to vector<2x32xi32>
      %select_n3A_256 = arith.select %eq3A_253, %iota3A_234, %broadcast_in_dim3A_255 : vector<2x32xi1>, vector<2x32xi32>
      %reduce_min3A_257 = arith.constant dense<2147483647> : vector<2xi32>
      %reduce_min3A_258 = vector.multi_reduction <minsi>, %select_n3A_256, %reduce_min3A_257 [1] : vector<2x32xi32> to vector<2xi32>
      %broadcast_in_dim3A_259 = vector.shape_cast %reduce_min3A_258 : vector<2xi32> to vector<2x1xi32>
      %eq3A_260 = vector.broadcast %broadcast_in_dim3A_259 : vector<2x1xi32> to vector<2x32xi32>
      %eq3A_261 = arith.cmpi eq, %iota3A_234, %eq3A_260 : vector<2x32xi32>
      %jit3A_262 = arith.constant 0xFF800000 : f32
      %broadcast_in_dim3A_263 = vector.broadcast %jit3A_262 : f32 to vector<2x32xf32>
      %select_n3A_264 = arith.select %eq3A_261, %broadcast_in_dim3A_263, %select_n3A_248 : vector<2x32xi1>, vector<2x32xf32>
      %reduce_max3A_265 = arith.constant dense<0xFF800000> : vector<2xf32>
      %reduce_max3A_266 = vector.multi_reduction <maximumf>, %select_n3A_264, %reduce_max3A_265 [1] : vector<2x32xf32> to vector<2xf32>
      %broadcast_in_dim3A_267 = vector.shape_cast %reduce_max3A_266 : vector<2xf32> to vector<2x1xf32>
      %eq3A_268 = vector.broadcast %broadcast_in_dim3A_267 : vector<2x1xf32> to vector<2x32xf32>
      %eq3A_269 = arith.cmpf oeq, %select_n3A_264, %eq3A_268 : vector<2x32xf32>
      %jit3A_270 = arith.constant 32 : i32
      %broadcast_in_dim3A_271 = vector.broadcast %jit3A_270 : i32 to vector<2x32xi32>
      %select_n3A_272 = arith.select %eq3A_269, %iota3A_234, %broadcast_in_dim3A_271 : vector<2x32xi1>, vector<2x32xi32>
      %reduce_min3A_273 = arith.constant dense<2147483647> : vector<2xi32>
      %reduce_min3A_274 = vector.multi_reduction <minsi>, %select_n3A_272, %reduce_min3A_273 [1] : vector<2x32xi32> to vector<2xi32>
      %broadcast_in_dim3A_275 = vector.shape_cast %reduce_min3A_274 : vector<2xi32> to vector<2x1xi32>
      %eq3A_276 = vector.broadcast %broadcast_in_dim3A_275 : vector<2x1xi32> to vector<2x32xi32>
      %eq3A_277 = arith.cmpi eq, %iota3A_234, %eq3A_276 : vector<2x32xi32>
      %jit3A_278 = arith.constant 0xFF800000 : f32
      %broadcast_in_dim3A_279 = vector.broadcast %jit3A_278 : f32 to vector<2x32xf32>
      %select_n3A_280 = arith.select %eq3A_277, %broadcast_in_dim3A_279, %select_n3A_264 : vector<2x32xi1>, vector<2x32xf32>
      %reduce_max3A_281 = arith.constant dense<0xFF800000> : vector<2xf32>
      %reduce_max3A_282 = vector.multi_reduction <maximumf>, %select_n3A_280, %reduce_max3A_281 [1] : vector<2x32xf32> to vector<2xf32>
      %broadcast_in_dim3A_283 = vector.shape_cast %reduce_max3A_282 : vector<2xf32> to vector<2x1xf32>
      %eq3A_284 = vector.broadcast %broadcast_in_dim3A_283 : vector<2x1xf32> to vector<2x32xf32>
      %eq3A_285 = arith.cmpf oeq, %select_n3A_280, %eq3A_284 : vector<2x32xf32>
      %jit3A_286 = arith.constant 32 : i32
      %broadcast_in_dim3A_287 = vector.broadcast %jit3A_286 : i32 to vector<2x32xi32>
      %select_n3A_288 = arith.select %eq3A_285, %iota3A_234, %broadcast_in_dim3A_287 : vector<2x32xi1>, vector<2x32xi32>
      %reduce_min3A_289 = arith.constant dense<2147483647> : vector<2xi32>
      %reduce_min3A_290 = vector.multi_reduction <minsi>, %select_n3A_288, %reduce_min3A_289 [1] : vector<2x32xi32> to vector<2xi32>
      %broadcast_in_dim3A_291 = vector.shape_cast %reduce_min3A_290 : vector<2xi32> to vector<2x1xi32>
      %eq3A_292 = vector.broadcast %broadcast_in_dim3A_291 : vector<2x1xi32> to vector<2x32xi32>
      %eq3A_293 = arith.cmpi eq, %iota3A_234, %eq3A_292 : vector<2x32xi32>
      %jit3A_294 = arith.constant 0xFF800000 : f32
      %broadcast_in_dim3A_295 = vector.broadcast %jit3A_294 : f32 to vector<2x32xf32>
      %select_n3A_296 = arith.select %eq3A_293, %broadcast_in_dim3A_295, %select_n3A_280 : vector<2x32xi1>, vector<2x32xf32>
      %reduce_max3A_297 = arith.constant dense<0xFF800000> : vector<2xf32>
      %reduce_max3A_298 = vector.multi_reduction <maximumf>, %select_n3A_296, %reduce_max3A_297 [1] : vector<2x32xf32> to vector<2xf32>
      %broadcast_in_dim3A_299 = vector.shape_cast %reduce_max3A_298 : vector<2xf32> to vector<2x1xf32>
      %eq3A_300 = vector.broadcast %broadcast_in_dim3A_299 : vector<2x1xf32> to vector<2x32xf32>
      %eq3A_301 = arith.cmpf oeq, %select_n3A_296, %eq3A_300 : vector<2x32xf32>
      %jit3A_302 = arith.constant 32 : i32
      %broadcast_in_dim3A_303 = vector.broadcast %jit3A_302 : i32 to vector<2x32xi32>
      %select_n3A_304 = arith.select %eq3A_301, %iota3A_234, %broadcast_in_dim3A_303 : vector<2x32xi1>, vector<2x32xi32>
      %reduce_min3A_305 = arith.constant dense<2147483647> : vector<2xi32>
      %reduce_min3A_306 = vector.multi_reduction <minsi>, %select_n3A_304, %reduce_min3A_305 [1] : vector<2x32xi32> to vector<2xi32>
      %broadcast_in_dim3A_307 = vector.shape_cast %reduce_min3A_306 : vector<2xi32> to vector<2x1xi32>
      %eq3A_308 = vector.broadcast %broadcast_in_dim3A_307 : vector<2x1xi32> to vector<2x32xi32>
      %eq3A_309 = arith.cmpi eq, %iota3A_234, %eq3A_308 : vector<2x32xi32>
      %jit3A_310 = arith.constant 0xFF800000 : f32
      %broadcast_in_dim3A_311 = vector.broadcast %jit3A_310 : f32 to vector<2x32xf32>
      %select_n3A_312 = arith.select %eq3A_309, %broadcast_in_dim3A_311, %select_n3A_296 : vector<2x32xi1>, vector<2x32xf32>
      %reduce_max3A_313 = arith.constant dense<0xFF800000> : vector<2xf32>
      %reduce_max3A_314 = vector.multi_reduction <maximumf>, %select_n3A_312, %reduce_max3A_313 [1] : vector<2x32xf32> to vector<2xf32>
      %broadcast_in_dim3A_315 = vector.shape_cast %reduce_max3A_314 : vector<2xf32> to vector<2x1xf32>
      %eq3A_316 = vector.broadcast %broadcast_in_dim3A_315 : vector<2x1xf32> to vector<2x32xf32>
      %eq3A_317 = arith.cmpf oeq, %select_n3A_312, %eq3A_316 : vector<2x32xf32>
      %jit3A_318 = arith.constant 32 : i32
      %broadcast_in_dim3A_319 = vector.broadcast %jit3A_318 : i32 to vector<2x32xi32>
      %select_n3A_320 = arith.select %eq3A_317, %iota3A_234, %broadcast_in_dim3A_319 : vector<2x32xi1>, vector<2x32xi32>
      %reduce_min3A_321 = arith.constant dense<2147483647> : vector<2xi32>
      %reduce_min3A_322 = vector.multi_reduction <minsi>, %select_n3A_320, %reduce_min3A_321 [1] : vector<2x32xi32> to vector<2xi32>
      %broadcast_in_dim3A_323 = vector.shape_cast %reduce_min3A_322 : vector<2xi32> to vector<2x1xi32>
      %eq3A_324 = vector.broadcast %broadcast_in_dim3A_323 : vector<2x1xi32> to vector<2x32xi32>
      %eq3A_325 = arith.cmpi eq, %iota3A_234, %eq3A_324 : vector<2x32xi32>
      %jit3A_326 = arith.constant 0xFF800000 : f32
      %broadcast_in_dim3A_327 = vector.broadcast %jit3A_326 : f32 to vector<2x32xf32>
      %select_n3A_328 = arith.select %eq3A_325, %broadcast_in_dim3A_327, %select_n3A_312 : vector<2x32xi1>, vector<2x32xf32>
      %reduce_max3A_329 = arith.constant dense<0xFF800000> : vector<2xf32>
      %reduce_max3A_330 = vector.multi_reduction <maximumf>, %select_n3A_328, %reduce_max3A_329 [1] : vector<2x32xf32> to vector<2xf32>
      %broadcast_in_dim3A_331 = vector.shape_cast %reduce_max3A_330 : vector<2xf32> to vector<2x1xf32>
      %eq3A_332 = vector.broadcast %broadcast_in_dim3A_331 : vector<2x1xf32> to vector<2x32xf32>
      %eq3A_333 = arith.cmpf oeq, %select_n3A_328, %eq3A_332 : vector<2x32xf32>
      %jit3A_334 = arith.constant 32 : i32
      %broadcast_in_dim3A_335 = vector.broadcast %jit3A_334 : i32 to vector<2x32xi32>
      %select_n3A_336 = arith.select %eq3A_333, %iota3A_234, %broadcast_in_dim3A_335 : vector<2x32xi1>, vector<2x32xi32>
      %reduce_min3A_337 = arith.constant dense<2147483647> : vector<2xi32>
      %reduce_min3A_338 = vector.multi_reduction <minsi>, %select_n3A_336, %reduce_min3A_337 [1] : vector<2x32xi32> to vector<2xi32>
      %broadcast_in_dim3A_339 = vector.shape_cast %reduce_min3A_338 : vector<2xi32> to vector<2x1xi32>
      %eq3A_340 = vector.broadcast %broadcast_in_dim3A_339 : vector<2x1xi32> to vector<2x32xi32>
      %eq3A_341 = arith.cmpi eq, %iota3A_234, %eq3A_340 : vector<2x32xi32>
      %jit3A_342 = arith.constant 0xFF800000 : f32
      %broadcast_in_dim3A_343 = vector.broadcast %jit3A_342 : f32 to vector<2x32xf32>
      %select_n3A_344 = arith.select %eq3A_341, %broadcast_in_dim3A_343, %select_n3A_328 : vector<2x32xi1>, vector<2x32xf32>
      %reduce_max3A_345 = arith.constant dense<0xFF800000> : vector<2xf32>
      %reduce_max3A_346 = vector.multi_reduction <maximumf>, %select_n3A_344, %reduce_max3A_345 [1] : vector<2x32xf32> to vector<2xf32>
      %broadcast_in_dim3A_347 = vector.shape_cast %reduce_max3A_346 : vector<2xf32> to vector<2x1xf32>
      %eq3A_348 = vector.broadcast %broadcast_in_dim3A_347 : vector<2x1xf32> to vector<2x32xf32>
      %eq3A_349 = arith.cmpf oeq, %select_n3A_344, %eq3A_348 : vector<2x32xf32>
      %jit3A_350 = arith.constant 32 : i32
      %broadcast_in_dim3A_351 = vector.broadcast %jit3A_350 : i32 to vector<2x32xi32>
      %select_n3A_352 = arith.select %eq3A_349, %iota3A_234, %broadcast_in_dim3A_351 : vector<2x32xi1>, vector<2x32xi32>
      %reduce_min3A_353 = arith.constant dense<2147483647> : vector<2xi32>
      %reduce_min3A_354 = vector.multi_reduction <minsi>, %select_n3A_352, %reduce_min3A_353 [1] : vector<2x32xi32> to vector<2xi32>
      %broadcast_in_dim3A_355 = vector.shape_cast %reduce_min3A_354 : vector<2xi32> to vector<2x1xi32>
      %concatenate3A = tpu.concatenate %broadcast_in_dim3A_243, %broadcast_in_dim3A_259, %broadcast_in_dim3A_275, %broadcast_in_dim3A_291, %broadcast_in_dim3A_307, %broadcast_in_dim3A_323, %broadcast_in_dim3A_339, %broadcast_in_dim3A_355 in 1 : vector<2x1xi32>, vector<2x1xi32>, vector<2x1xi32>, vector<2x1xi32>, vector<2x1xi32>, vector<2x1xi32>, vector<2x1xi32>, vector<2x1xi32> -> vector<2x8xi32>
      %iota3A_356 = tpu.iota {dimensions = array<i32: 0>} : vector<2x8x196xi32>
      %iota3A_357 = tpu.iota {dimensions = array<i32: 2>} : vector<2x8x196xi32>
      %broadcast_in_dim3A_358 = vector.shape_cast %concatenate3A : vector<2x8xi32> to vector<2x8x1xi32>
      %mul3A_359 = arith.constant 32 : i32
      %mul3A_360 = vector.broadcast %mul3A_359 : i32 to vector<2x8x196xi32>
      %mul3A_361 = arith.muli %iota3A_356, %mul3A_360 : vector<2x8x196xi32>
      %add3A_362 = vector.broadcast %broadcast_in_dim3A_358 : vector<2x8x1xi32> to vector<2x8x196xi32>
      %add3A_363 = arith.addi %mul3A_361, %add3A_362 : vector<2x8x196xi32>
      %mul3A_364 = arith.constant 196 : i32
      %mul3A_365 = vector.broadcast %mul3A_364 : i32 to vector<2x8x196xi32>
      %mul3A_366 = arith.muli %add3A_363, %mul3A_365 : vector<2x8x196xi32>
      %add3A_367 = arith.addi %mul3A_366, %iota3A_357 : vector<2x8x196xi32>
      %swap3A_368 = arith.constant 0 : index
      %swap3A_369 = arith.constant 0 : index
      %swap3A_370 = arith.constant 0 : index
      %swap3A_371 = vector.load %arg11[%swap3A_368, %swap3A_369, %swap3A_370] : memref<2x8x196xi32, #tpu.memory_space<vmem>>, vector<2x8x196xi32>
      tpu.vector_store %arg11[%swap3A_368, %swap3A_369, %swap3A_370], %add3A_367 {strides = array<i32>} : memref<2x8x196xi32, #tpu.memory_space<vmem>>, vector<2x8x196xi32>,
    } else {
    }
    return
  }
  func.func @transform_0(%arg0: i32, %arg1: memref<8xi32, #tpu.memory_space<smem>>) -> (i32, i32, i32) {
    %get3A = arith.index_cast %arg0 : i32 to index
    %get3A_0 = memref.load %arg1[%get3A] : memref<8xi32, #tpu.memory_space<smem>>
    %c0_i32 = arith.constant 0 : i32
    %c0_i32_1 = arith.constant 0 : i32
    %c0_i32_2 = arith.constant 0 : i32
    return %get3A_0, %c0_i32, %c0_i32_1 : i32, i32, i32
  }
  func.func @transform_1(%arg0: i32, %arg1: memref<8xi32, #tpu.memory_space<smem>>) -> (i32, i32) {
    %c0_i32 = arith.constant 0 : i32
    %c0_i32_0 = arith.constant 0 : i32
    %c0_i32_1 = arith.constant 0 : i32
    return %c0_i32, %c0_i32_0 : i32, i32
  }
  func.func @transform_2(%arg0: i32, %arg1: memref<8xi32, #tpu.memory_space<smem>>) -> (i32, i32) {
    %c0_i32 = arith.constant 0 : i32
    %c0_i32_0 = arith.constant 0 : i32
    %c0_i32_1 = arith.constant 0 : i32
    return %c0_i32, %c0_i32_0 : i32, i32
  }
  func.func @transform_3(%arg0: i32, %arg1: memref<8xi32, #tpu.memory_space<smem>>) -> (i32, i32) {
    %c0_i32 = arith.constant 0 : i32
    %c0_i32_0 = arith.constant 0 : i32
    %c0_i32_1 = arith.constant 0 : i32
    return %c0_i32, %c0_i32_0 : i32, i32
  }
  func.func @transform_4(%arg0: i32, %arg1: memref<8xi32, #tpu.memory_space<smem>>) -> (i32, i32) {
    %c0_i32 = arith.constant 0 : i32
    %c0_i32_0 = arith.constant 0 : i32
    %c0_i32_1 = arith.constant 0 : i32
    return %c0_i32, %c0_i32_0 : i32, i32
  }
  func.func @transform_5(%arg0: i32, %arg1: memref<8xi32, #tpu.memory_space<smem>>) -> (i32, i32) {
    %c0_i32 = arith.constant 0 : i32
    %c0_i32_0 = arith.constant 0 : i32
    %c0_i32_1 = arith.constant 0 : i32
    return %c0_i32, %c0_i32_0 : i32, i32
  }
  func.func @transform_6(%arg0: i32, %arg1: memref<8xi32, #tpu.memory_space<smem>>) -> (i32, i32) {
    %c0_i32 = arith.constant 0 : i32
    %c0_i32_0 = arith.constant 0 : i32
    %c0_i32_1 = arith.constant 0 : i32
    return %c0_i32, %c0_i32_0 : i32, i32
  }
  func.func @transform_7(%arg0: i32, %arg1: memref<8xi32, #tpu.memory_space<smem>>) -> (i32, i32) {
    %c0_i32 = arith.constant 0 : i32
    %c0_i32_0 = arith.constant 0 : i32
    %c0_i32_1 = arith.constant 0 : i32
    return %c0_i32, %c0_i32_0 : i32, i32
  }
  func.func @transform_8(%arg0: i32, %arg1: memref<8xi32, #tpu.memory_space<smem>>) -> (i32, i32) {
    %c0_i32 = arith.constant 0 : i32
    %c0_i32_0 = arith.constant 0 : i32
    %c0_i32_1 = arith.constant 0 : i32
    return %c0_i32, %c0_i32_0 : i32, i32
  }
  func.func @transform_9(%arg0: i32, %arg1: memref<8xi32, #tpu.memory_space<smem>>) -> (i32, i32, i32) {
    %c0_i32 = arith.constant 0 : i32
    %c0_i32_0 = arith.constant 0 : i32
    %c0_i32_1 = arith.constant 0 : i32
    %c0_i32_2 = arith.constant 0 : i32
    return %c0_i32, %c0_i32_0, %c0_i32_1 : i32, i32, i32
  }
}

</mosaic_0001>

<sc_bundles>
// kernel: kernel.4.cloned.1.call-start
scs
__scs_entry_jumppad:
0x0: {  	(pc) =	sbr.rel $0x88, $3  }
0x1: {  	(tag) =	ssettag $0x0;
	lr =	simm.s32 $0x1  }
0x2: {  	[smem:$0x3F99] =	sst lr;
	_ =	strace $0xD0000000  }
0x3: {  	_ = 	snop  }
0x4: {  	_ = 	snop  }
0x5: {  	_ = 	snop  }
0x6: {  	_ = 	snop  }
0x7: {  	_ = 	snop  }
__scs_overlays_trampoline_lowered:
0x8: {  	[smem:$0x3FA8] =	sst s0  }
0x9: {  	[smem:$0x3FA9] =	sst s1  }
0xa: {  	[smem:$0x3FAA] =	sst s2  }
0xb: {  	[smem:$0x3FAB] =	sst s3  }
0xc: {  	[smem:$0x3FAC] =	sst s4  }
0xd: {  	[smem:$0x3FAD] =	sst s5  }
0xe: {  	[smem:$0x3FAE] =	sst s6  }
0xf: {  	[smem:$0x3FAF] =	sst s7  }
0x10: {  	[smem:$0x3FB0] =	sst s8  }
0x11: {  	[smem:$0x3FB1] =	sst s9;
	s0 =	simm.s32 @!p0 $0x0  }
0x12: {  	s1 =	sld [smem:$0x3F97];
	s0 =	simm.s32 @p0 $0x1  }
0x13: {  	[smem:$0x3FB2] =	sst s0;
	s0 =	simm.s32 @!p1 $0x0  }
0x14: {  	s2 =	sld [smem:$0x3F96];
	s0 =	simm.s32 @p1 $0x1  }
0x15: {  	[smem:$0x3FB3] =	sst s0;
	s0 =	simm.s32 @!p2 $0x0  }
0x16: {  	s3 =	sld [smem:$0x3FDB];
	s0 =	simm.s32 @p2 $0x1  }
0x17: {  	s4 =	simm.s32 $0x1BF5;
	[smem:$0x3FB5] =	sst s0  }
0x18: {  	s0 =	sld [smem:$0x3F98];
	_ =	swait.ge [sflag:s4], $0x0  }
0x19: {  	s7 =	sld [smem:$0x3F99]  }
0x1a: {  	s8 =	sadd.s32 $0xFFFFE003, lr  }
0x1b: {  	s9 =	sadd.s32 $0xFFFFFEF7, lr;
	s5 =	simm.s32 $0xFFFFFFFF;
	p2 =	slt.u32 s8, $0xFFFFF086  }
0x1c: {  	p1 =	slt.u32 s9, $0xF7A;
	s5 =	simm.s32 @!p2 $0x0  }
0x1d: {  	s5 =	simm.s32 @p1 $0x1;
	p0 =	seq.s32 s7, s2  }
0x1e: {  	s7 =	smul.u32 @!p0 $0xF7A, s2;
	p2 =	seq.s32 @!p0 s5, $0x0  }
0x1f: {  	s9 =	smul.u32 $0xF7A, s1;
	s8 =	simm.s32 @!p0 $0x1BF5;
	p2 =	por !p2, p0  }
0x20: {  	[sflag:s8] =	ssyncset.s32 @!p0 $0xFFFFF086;
	s6 =	sadd.s32 @!p0 s3, s7;
	s7 =	simm.s32 @!p0 $0x108  }
0x21: {  	s3 =	sadd.s32 s3, s9;
	s6 =	sadd.s32 @!p0 $0x88, s6;
	s7 =	simm.s32 @p2 $0x1082  }
0x22: {  	[simem:s7], [sflag:s8] =	dma.local @!p0 [hbm:s6], $0xF7A  }
0x23: {  	s9 =	sor.u32 $0xD0000000, s2;
	s6 =	simm.s32 $0x108;
	_ =	swait.ge @!p0 [sflag:s8], $0x0  }
0x24: {  	s3 =	sadd.s32 $0x88, s3;
	s6 =	simm.s32 @!p1 $0x1082;
	[sflag:s4] =	ssyncset.s32 $0xFFFFF086  }
0x25: {  	[simem:s6], [sflag:s4] =	dma.local [hbm:s3], $0xF7A  }
0x26: {  	[smem:$0x3F99] =	sst s1;
	(tag) =	ssettag s2;
	_ =	strace s9  }
0x27: {  	s1 =	sld [smem:$0x3FA9]  }
0x28: {  	s2 =	sld [smem:$0x3FAA]  }
0x29: {  	s4 =	sld [smem:$0x3FAC]  }
0x2a: {  	p0 =	seq.s32 s5, $0x0;
	s5 =	sld [smem:$0x3FAD]  }
0x2b: {  	s6 =	sld [smem:$0x3FAE]  }
0x2c: {  	s7 =	sld [smem:$0x3FAF]  }
0x2d: {  	s3 =	simm.s32 $0x108;
	s8 =	sld [smem:$0x3FB0]  }
0x2e: {  	s3 =	simm.s32 @!p0 $0x1082;
	s9 =	sld [smem:$0x3FB1]  }
0x2f: {  	lr =	sadd.s32 s0, s3;
	s0 =	sld [smem:$0x3FA8]  }
0x30: {  	s3 =	sld [smem:$0x3FAB]  }
0x31: {  	[smem:$0x3FB4] =	sst s10  }
0x32: {  	s10 =	sld [smem:$0x3FB2];
	_ =	sdelay $0x3  }
0x33: {  	p0 =	seq.s32 s10, $0x1;
	s10 =	sld [smem:$0x3FB4];
	_ =	sdelay $0x3  }
0x34: {  	[smem:$0x3FB4] =	sst s10  }
0x35: {  	s10 =	sld [smem:$0x3FB3];
	_ =	sdelay $0x3  }
0x36: {  	p1 =	seq.s32 s10, $0x1;
	s10 =	sld [smem:$0x3FB4];
	_ =	sdelay $0x3  }
0x37: {  	[smem:$0x3FB4] =	sst s10  }
0x38: {  	s10 =	sld [smem:$0x3FB5]  }
0x39: {  	_ = 	snop;
	(pc) =	sbr.ind lr, $3  }
0x3a: {  	_ = 	snop  }
0x3b: {  	_ = 	snop  }
0x3c: {  	p2 =	seq.s32 s10, $0x1;
	s10 =	sld [smem:$0x3FB4]  }
0x3d: {  	_ =	shalt  }
0x3e: {  	_ =	shalt  }
0x3f: {  	_ =	shalt  }
0x40: {  	_ =	shalt  }
0x41: {  	_ =	shalt  }
0x42: {  	_ =	shalt  }
0x43: {  	_ =	shalt  }
0x44: {  	_ =	shalt  }
0x45: {  	_ =	shalt  }
0x46: {  	_ =	shalt  }
0x47: {  	_ =	shalt  }
0x48: {  	_ =	shalt  }
0x49: {  	_ =	shalt  }
0x4a: {  	_ =	shalt  }
0x4b: {  	_ =	shalt  }
0x4c: {  	_ =	shalt  }
0x4d: {  	_ =	shalt  }
0x4e: {  	_ =	shalt  }
0x4f: {  	_ =	shalt  }
0x50: {  	_ =	shalt  }
0x51: {  	_ =	shalt  }
0x52: {  	_ =	shalt  }
0x53: {  	_ =	shalt  }
0x54: {  	_ =	shalt  }
0x55: {  	_ =	shalt  }
0x56: {  	_ =	shalt  }
0x57: {  	_ =	shalt  }
0x58: {  	_ =	shalt  }
0x59: {  	_ =	shalt  }
0x5a: {  	_ =	shalt  }
0x5b: {  	_ =	shalt  }
0x5c: {  	_ =	shalt  }
0x5d: {  	_ =	shalt  }
0x5e: {  	_ =	shalt  }
0x5f: {  	_ =	shalt  }
0x60: {  	_ =	shalt  }
0x61: {  	_ =	shalt  }
0x62: {  	_ =	shalt  }
0x63: {  	_ =	shalt  }
0x64: {  	_ =	shalt  }
0x65: {  	_ =	shalt  }
0x66: {  	_ =	shalt  }
0x67: {  	_ =	shalt  }
0x68: {  	_ =	shalt  }
0x69: {  	_ =	shalt  }
0x6a: {  	_ =	shalt  }
0x6b: {  	_ =	shalt  }
0x6c: {  	_ =	shalt  }
0x6d: {  	_ =	shalt  }
0x6e: {  	_ =	shalt  }
0x6f: {  	_ =	shalt  }
0x70: {  	_ =	shalt  }
0x71: {  	_ =	shalt  }
0x72: {  	_ =	shalt  }
0x73: {  	_ =	shalt  }
0x74: {  	_ =	shalt  }
0x75: {  	_ =	shalt  }
0x76: {  	_ =	shalt  }
0x77: {  	_ =	shalt  }
0x78: {  	_ =	shalt  }
0x79: {  	_ =	shalt  }
0x7a: {  	_ =	shalt  }
0x7b: {  	_ =	shalt  }
0x7c: {  	_ =	shalt  }
0x7d: {  	_ =	shalt  }
0x7e: {  	_ =	shalt  }
0x7f: {  	_ =	shalt  }
0x80: {  	_ =	shalt  }
0x81: {  	_ =	shalt  }
0x82: {  	_ =	shalt  }
0x83: {  	_ =	shalt  }
0x84: {  	_ =	shalt  }
0x85: {  	_ =	shalt  }
0x86: {  	_ =	shalt  }
0x87: {  	_ =	shalt  }
.Lfunc_end0:
.L_simem_size_0:
called_computation_lowered:
.L_overlay_start_0:
0x88: {  	s2 =	sld [smem:$0x3FD9]  }
0x89: {  	s3 =	sld [smem:$0x3FFE];
	_ =	sdelay $0x1  }
0x8a: {  	s1 =	srdreg.scid  }
0x8b: {  	s0 =	sand.u32 $0x1, s1  }
0x8c: {  	s14 =	sshll.u32 s0, $0xA;
	s2 =	sadd.s32 s3, s2  }
0x8d: {  	s2 =	sadd.s32 s2, s14  }
0x8e: {  	[smem:$0x3FC0] =	sst s2  }
0x8f: {  	_ = 	snop  }
0x90: {  	s2 =	sld [smem:$0x3FD0];
	_ =	sdelay $0x2  }
0x91: {  	s15 =	simm.s32 $0xA;
	s4 =	simm.s32 $0x10  }
0x92: {  	[smem:s4], [sflag:s15] =	dma.local [hbm:s2], $0x1  }
0x93: {  	_ =	swait.eq [sflag:s15], $0x1  }
0x94: {  	[sflag:s15] =	ssyncset.done $0x0  }
0x95: {  	[sflag:s15] =	ssyncadd.s32 $0xFFFFFFFF  }
0x96: {  	s16 =	sld [smem:$0x10];
	(tm) =	ssettm $0x1  }
0x97: {  	s17 =	sld [smem:$0x3FFB];
	_ =	sdelay $0x3  }
0x98: {  	_ =	strace s17  }
0x99: {  	s3 =	sld [smem:$0x3FFC];
	_ =	sdelay $0x3  }
0x9a: {  	_ =	strace s3  }
0x9b: {  	s3 =	sld [smem:$0x3FFD];
	_ =	sdelay $0x3  }
0x9c: {  	_ =	strace s3  }
0x9d: {  	_ =	strace $0x8FFFFFFF  }
0x9e: {  	s18 =	sld [smem:$0x3FDB];
	_ =	sdelay $0x1  }
0x9f: {  	s19 =	simm.s32 $_scs_section_size  }
0xa0: {  	s5 =	simm.s32 $_size__tile_overlayer_lowered;
	s6 =	simm.s32 $_tile_overlayer_lowered  }
0xa1: {  	s22 =	simm.s32 $0x1BFF;
	s21 =	sshll.u32 s6, $0x1;
	s3 =	sadd.s32 s19, s18  }
0xa2: {  	s7 =	simm.s32 $0x0;
	s20 =	sshll.u32 s5, $0x1;
	s5 =	sadd.s32 s21, s3  }
0xa3: {  	[timem:s7], [sflag:s22] =	dma.local [hbm:s5], s20  }
0xa4: {  	_ =	swait.ge [sflag:s22], s20  }
0xa5: {  	s4 =	ssub.s32 $0x0, s20;
	[sflag:s22] =	ssyncset.done $0x0  }
0xa6: {  	[sflag:s22] =	ssyncadd.s32 s4;
	_ =	sdelay $0x1  }
0xa7: {  	s23 =	simm.s32 $0x1B8B  }
0xa8: {  	_ =	swait.ge [sflag:s23], $0x1  }
0xa9: {  	[sflag:s23] =	ssyncset.done $0x0  }
0xaa: {  	s25 =	simm.s32 $0x1B8E;
	s24 =	sld [smem:$0x3FFE];
	[sflag:s23] =	ssyncadd.s32 $0xFFFFFFFF  }
0xab: {  	s26 =	simm.s32 $execute0_lowered;
	[smem:$0x3FD2] =	sst s25  }
0xac: {  	s5 =	sshll.u32 s26, $0x1;
	_ =	strace $0x80000046;
	[dreg:$0x1] =	wrdreg $0xFFFFFFFF  }
0xad: {  	s28 =	simm.s32 $_size_execute0_lowered;
	s3 =	sadd.s32 s3, s5;
	[dreg:$0x0] =	wrdreg $0x0  }
0xae: {  	s5 =	sshll.u32 s28, $0x1;
	[dreg:$0x2] =	wrdreg s3  }
0xaf: {  	[dreg:$0x3] =	wrdreg s5  }
0xb0: {  	[dreg:$0x4] =	wrdreg $0xC0  }
0xb1: {  	_ =	task [dreg:s7], $0x5FFFF  }
0xb2: {  	[dreg:$0x1] =	wrdreg $0xFFFFFFFF  }
0xb3: {  	[dreg:$0x0] =	wrdreg $0x60  }
0xb4: {  	[dreg:$0x2] =	wrdreg s24  }
0xb5: {  	[dreg:$0x3] =	wrdreg s16  }
0xb6: {  	[dreg:$0x4] =	wrdreg $0x9  }
0xb7: {  	_ =	task.clear_ibuf [dreg:s7], $0x5FFFF;
	_ =	strace $0x90000046  }
0xb8: {  	s29 =	simm.s32 $0x9;
	_ =	strace $0x80000048  }
0xb9: {  	_ =	swait.ge [sflag:s29], $0x1  }
0xba: {  	[sflag:s29] =	ssyncadd.s32 $0xFFFFFFFF  }
0xbb: {  	_ =	strace $0x90000048  }
0xbc: {  	_ =	sfence  }
0xbd: {  	s30 =	sld [smem:$0x0];
	_ =	sdelay $0x2  }
0xbe: {  	s31 =	sshll.u32 s1, $0xD;
	s1 =	sshrl.u32 s1, $0x2  }
0xbf: {  	s3 =	sand.u32 $0x4000, s31;
	s1 =	sadd.s32 s1, s30  }
0xc0: {  	s0 =	sor.u32 s3, s0;
	s1 =	sshll.u32 s1, $0x11  }
0xc1: {  	s0 =	sor.u32 s1, s0  }
0xc2: {  	s0 =	sadd.s32 $0x8F2B, s0  }
0xc3: {  	[sflag:s0] =	ssyncadd.remote.s32 $0x1  }
0xc4: {  	_ =	sfence.sel $0xFFFF  }
0xc5: {  	[dreg:$0x0] =	wrdreg $0xFFFFFFFF;
	(pc) =	sbr.abs _section_cstart, $3  }
0xc6: {  	[dreg:$0x1] =	wrdreg $0xFFFFFFFF  }
0xc7: {  	_ =	task.clear_ibuf [dreg:s7], $0x2FFFF;
	_ =	strace $0x9FFFFFFF  }
0xc8: {  	(tm) =	ssettm $0x7FFFFFFF  }
0xc9: {  	_ =	shalt  }
tec
execute0_lowered:
.L_overlay_start_1:
0x0: {  	(tag) =	ssettag $0x1  }
0x1: {  	s1 =	srdreg.scid;
	s0 =	stileid.u32  }
0x2: {  	s1 =	sand.u32 $0x1, s1;
	s2 =	sshll.u32 s0, $0x1  }
0x3: {  	s2 =	sor.u32 s1, s2  }
0x4: {  	s2 =	smul.u32 $0x62, s2;
	_ =	sdelay $0x1  }
0x5: {  	s2 =	sand.u32 $0xFF8, s2  }
0x6: {  	s5 =	rddreg [dreg:$0x0];
	s2 =	smin.u32 s2, $0xBD0  }
0x7: {  	s3 =	rddreg [dreg:$0x1];
	s4 =	sshrl.u32 s2, $0x3;
	s2 =	simm.s32 $0x0  }
0x8: {  	[smem:$0x7FF] =	sst s2;
	s3 =	sadd.s32 s3, s4  }
0x9: {  	s8 =	simm.s32 $0x880;
	_ =	strace $0x80000047;
	[dreg:$0x3] =	wrdreg s3  }
0xa: {  	s9 =	simm.s32 $0x1080;
	[dreg:$0x5] =	wrdreg s8  }
0xb: {  	s10 =	simm.s32 $0x1880;
	[dreg:$0x6] =	wrdreg s9  }
0xc: {  	s11 =	simm.s32 $0x2080;
	[dreg:$0x7] =	wrdreg s10  }
0xd: {  	s12 =	simm.s32 $0x2880;
	[dreg:$0x8] =	wrdreg s11  }
0xe: {  	s13 =	simm.s32 $0x3080;
	[dreg:$0x9] =	wrdreg s12  }
0xf: {  	s14 =	simm.s32 $0x3880;
	[dreg:$0xa] =	wrdreg s13  }
0x10: {  	s15 =	simm.s32 $0x4080;
	s16 =	simm.s32 $0x4880;
	[dreg:$0xb] =	wrdreg s14  }
0x11: {  	s17 =	simm.s32 $0x5080;
	s18 =	simm.s32 $0x5880;
	[dreg:$0xc] =	wrdreg s15  }
0x12: {  	s19 =	simm.s32 $0x6080;
	s21 =	simm.s32 $0x6880;
	[dreg:$0xd] =	wrdreg s16  }
0x13: {  	s22 =	simm.s32 $0x7080;
	s23 =	simm.s32 $0x7880;
	[dreg:$0xe] =	wrdreg s17  }
0x14: {  	s24 =	simm.s32 $0x8880;
	s25 =	simm.s32 $0x9080;
	[dreg:$0xf] =	wrdreg s18  }
0x15: {  	s26 =	simm.s32 $0x9880;
	s28 =	simm.s32 $0x13080;
	[dreg:$0x10] =	wrdreg s19  }
0x16: {  	s29 =	simm.s32 $0x13880;
	s1 =	ssub.s32 $0x2, s1;
	[dreg:$0x11] =	wrdreg s21  }
0x17: {  	s30 =	simm.s32 $0x14080;
	s20 =	sshrl.u32 s1, $0x1;
	[dreg:$0x12] =	wrdreg s22  }
0x18: {  	s31 =	simm.s32 $0x14880;
	s1 =	ssub.s32 s1, s20;
	[dreg:$0x13] =	wrdreg s23  }
0x19: {  	s20 =	simm.s32 $0xF880;
	s6 =	smul.u32 $0x300, s4;
	[dreg:$0x15] =	wrdreg s24  }
0x1a: {  	s4 =	sadd.s32 $0x189700, s5;
	s3 =	sadd.s32 $0x189600, s5;
	[dreg:$0x16] =	wrdreg s25  }
0x1b: {  	s8 =	simm.s32 $0x80;
	[dreg:$0x17] =	wrdreg s26;
	s10 =	simm.s32 $0xA880  }
0x1c: {  	s11 =	simm.s32 $0xB080;
	s12 =	simm.s32 $0xB880;
	s13 =	simm.s32 $0xC080  }
0x1d: {  	s14 =	simm.s32 $0xC880;
	s15 =	simm.s32 $0xD080;
	s16 =	simm.s32 $0xD880  }
0x1e: {  	s17 =	simm.s32 $0xE080;
	s18 =	simm.s32 $0xE880;
	s19 =	simm.s32 $0xF080  }
0x1f: {  	s21 =	simm.s32 $0x10080;
	s22 =	simm.s32 $0x10880;
	s23 =	simm.s32 $0x11080  }
0x20: {  	s24 =	simm.s32 $0x11880;
	s25 =	simm.s32 $0x12080;
	s6 =	sadd.s32 s6, s5  }
0x21: {  	v2 =	vlaneseq.u32;
	s26 =	simm.s32 $0x12880;
	s5 =	sadd.s32 $0x189800, s5;
	s7 =	sadd.s32 $0x1600, s6  }
0x22: {  	vm0 =	vmmov $0xffff;
	v1 =	vshrl.u32 v2, $0x3;
	s6 =	smax.u32 s1, $0x1;
	[dreg:$0x4] =	wrdreg s7;
	s7 =	simm.s32 $0x8080  }
0x23: {  	v0 =	vand.u32 $0x7, v2;
	v2 =	vor.u32 $0x8, v2;
	v1 =	vmul.u32 $0x8, v1;
	s1 =	simm.s32 $0x1;
	[dreg:$0x14] =	wrdreg s7;
	s7 =	simm.s32 $0x2  }
.LBB2_1:
0x24: {  	s0 =	rddreg [dreg:$0x3]  }
0x25: {  	[tilespmem:s2], [sflag:$0x2] =	stream.linear.gather [hbm4b:s0+s2], $0x70, $0x38;
	[tilespmem:$0x15080] =	vst v63  }
0x26: {  	_ =	swait.ge [sflag:s7], $0x70  }
0x27: {  	[sflag:s7] =	ssyncset.done $0x0  }
0x28: {  	[sflag:s7] =	ssyncadd.s32 $0xFFFFFF90  }
0x29: {  	v3 =	vld [tilespmem:$0x0];
	_ =	sdelay $0x4  }
0x2a: {  	v4 =	vshrl.u32 v3, $0x3  }
0x2b: {  	v4 =	vmul.u32 $0x30, v4  }
0x2c: {  	v3 =	vand.u32 $0x7, v3  }
0x2d: {  	v3 =	vor.u32 v3, v4  }
0x2e: {  	v4 =	vperm.xlane v3, v0;
	_ =	sdelay $0x1  }
0x2f: {  	v4 =	vadd.s32 v1, v4;
	_ =	sdelay $0x3  }
0x30: {  	v3 =	vperm.xlane v3, v2  }
0x31: {  	[tilespmem:s8], [sflag:$0x1] =	stream.indirect_vreg.gather [hbm4b:s3+s2], $0x80, v4, vm0, $0xb8;
	[tilespmem:$0x15080] =	vst v63  }
0x32: {  	s0 =	rddreg [dreg:$0x5];
	v3 =	vadd.s32 v1, v3  }
0x33: {  	[tilespmem:s0], [sflag:$0x1] =	stream.indirect_vreg.gather [hbm4b:s4+s2], $0x80, v4, vm0, $0xb8;
	[tilespmem:$0x15080] =	vst v63  }
0x34: {  	s9 =	rddreg [dreg:$0x6]  }
0x35: {  	[tilespmem:s9], [sflag:$0x1] =	stream.indirect_vreg.gather [hbm4b:s5+s2], $0x80, v4, vm0, $0xb8;
	[tilespmem:$0x15080] =	vst v63  }
0x36: {  	s0 =	rddreg [dreg:$0x7]  }
0x37: {  	[tilespmem:s0], [sflag:$0x1] =	stream.indirect_vreg.gather [hbm4b:s3+s2], $0x80, v3, vm0, $0xb8;
	[tilespmem:$0x15080] =	vst v63  }
0x38: {  	s9 =	rddreg [dreg:$0x8]  }
0x39: {  	[tilespmem:s9], [sflag:$0x1] =	stream.indirect_vreg.gather [hbm4b:s4+s2], $0x80, v3, vm0, $0xb8;
	[tilespmem:$0x15080] =	vst v63  }
0x3a: {  	s0 =	rddreg [dreg:$0x9]  }
0x3b: {  	[tilespmem:s0], [sflag:$0x1] =	stream.indirect_vreg.gather [hbm4b:s5+s2], $0x80, v3, vm0, $0xb8;
	[tilespmem:$0x15080] =	vst v63  }
0x3c: {  	v3 =	vld [tilespmem:$0x10];
	_ =	sdelay $0x4  }
0x3d: {  	v58 =	vshrl.u32 v3, $0x3  }
0x3e: {  	v4 =	vmul.u32 $0x30, v58  }
0x3f: {  	v3 =	vand.u32 $0x7, v3  }
0x40: {  	v3 =	vor.u32 v3, v4  }
0x41: {  	v4 =	vperm.xlane v3, v0;
	_ =	sdelay $0x1  }
0x42: {  	v4 =	vadd.s32 v1, v4;
	_ =	sdelay $0x3  }
0x43: {  	s0 =	rddreg [dreg:$0xa];
	v3 =	vperm.xlane v3, v2  }
0x44: {  	[tilespmem:s0], [sflag:$0x1] =	stream.indirect_vreg.gather [hbm4b:s3+s2], $0x80, v4, vm0, $0xb8;
	[tilespmem:$0x15080] =	vst v63  }
0x45: {  	s9 =	rddreg [dreg:$0xb];
	v3 =	vadd.s32 v1, v3  }
0x46: {  	[tilespmem:s9], [sflag:$0x1] =	stream.indirect_vreg.gather [hbm4b:s4+s2], $0x80, v4, vm0, $0xb8;
	[tilespmem:$0x15080] =	vst v63  }
0x47: {  	s0 =	rddreg [dreg:$0xc]  }
0x48: {  	[tilespmem:s0], [sflag:$0x1] =	stream.indirect_vreg.gather [hbm4b:s5+s2], $0x80, v4, vm0, $0xb8;
	[tilespmem:$0x15080] =	vst v63  }
0x49: {  	s9 =	rddreg [dreg:$0xd]  }
0x4a: {  	[tilespmem:s9], [sflag:$0x1] =	stream.indirect_vreg.gather [hbm4b:s3+s2], $0x80, v3, vm0, $0xb8;
	[tilespmem:$0x15080] =	vst v63  }
0x4b: {  	s0 =	rddreg [dreg:$0xe]  }
0x4c: {  	[tilespmem:s0], [sflag:$0x1] =	stream.indirect_vreg.gather [hbm4b:s4+s2], $0x80, v3, vm0, $0xb8;
	[tilespmem:$0x15080] =	vst v63  }
0x4d: {  	s9 =	rddreg [dreg:$0xf]  }
0x4e: {  	[tilespmem:s9], [sflag:$0x1] =	stream.indirect_vreg.gather [hbm4b:s5+s2], $0x80, v3, vm0, $0xb8;
	[tilespmem:$0x15080] =	vst v63  }
0x4f: {  	v3 =	vld [tilespmem:$0x20];
	_ =	sdelay $0x4  }
0x50: {  	v59 =	vshrl.u32 v3, $0x3  }
0x51: {  	v4 =	vmul.u32 $0x30, v59  }
0x52: {  	v3 =	vand.u32 $0x7, v3  }
0x53: {  	v3 =	vor.u32 v3, v4  }
0x54: {  	v4 =	vperm.xlane v3, v0;
	_ =	sdelay $0x1  }
0x55: {  	v4 =	vadd.s32 v1, v4;
	_ =	sdelay $0x3  }
0x56: {  	s0 =	rddreg [dreg:$0x10];
	v3 =	vperm.xlane v3, v2  }
0x57: {  	[tilespmem:s0], [sflag:$0x1] =	stream.indirect_vreg.gather [hbm4b:s3+s2], $0x80, v4, vm0, $0xb8;
	[tilespmem:$0x15080] =	vst v63  }
0x58: {  	s9 =	rddreg [dreg:$0x11];
	v3 =	vadd.s32 v1, v3  }
0x59: {  	[tilespmem:s9], [sflag:$0x1] =	stream.indirect_vreg.gather [hbm4b:s4+s2], $0x80, v4, vm0, $0xb8;
	[tilespmem:$0x15080] =	vst v63  }
0x5a: {  	s0 =	rddreg [dreg:$0x12]  }
0x5b: {  	[tilespmem:s0], [sflag:$0x1] =	stream.indirect_vreg.gather [hbm4b:s5+s2], $0x80, v4, vm0, $0xb8;
	[tilespmem:$0x15080] =	vst v63  }
0x5c: {  	s9 =	rddreg [dreg:$0x13]  }
0x5d: {  	[tilespmem:s9], [sflag:$0x1] =	stream.indirect_vreg.gather [hbm4b:s3+s2], $0x80, v3, vm0, $0xb8;
	[tilespmem:$0x15080] =	vst v63  }
0x5e: {  	s0 =	rddreg [dreg:$0x14]  }
0x5f: {  	[tilespmem:s0], [sflag:$0x1] =	stream.indirect_vreg.gather [hbm4b:s4+s2], $0x80, v3, vm0, $0xb8;
	[tilespmem:$0x15080] =	vst v63  }
0x60: {  	s9 =	rddreg [dreg:$0x15]  }
0x61: {  	[tilespmem:s9], [sflag:$0x1] =	stream.indirect_vreg.gather [hbm4b:s5+s2], $0x80, v3, vm0, $0xb8;
	[tilespmem:$0x15080] =	vst v63  }
0x62: {  	v3 =	vld [tilespmem:$0x30];
	_ =	sdelay $0x4  }
0x63: {  	v60 =	vshrl.u32 v3, $0x3  }
0x64: {  	v4 =	vmul.u32 $0x30, v60  }
0x65: {  	v3 =	vand.u32 $0x7, v3  }
0x66: {  	v3 =	vor.u32 v3, v4  }
0x67: {  	v4 =	vperm.xlane v3, v0;
	_ =	sdelay $0x1  }
0x68: {  	v4 =	vadd.s32 v1, v4;
	_ =	sdelay $0x3  }
0x69: {  	s0 =	rddreg [dreg:$0x16];
	v3 =	vperm.xlane v3, v2  }
0x6a: {  	[tilespmem:s0], [sflag:$0x1] =	stream.indirect_vreg.gather [hbm4b:s3+s2], $0x80, v4, vm0, $0xb8;
	[tilespmem:$0x15080] =	vst v63  }
0x6b: {  	s9 =	rddreg [dreg:$0x17];
	v3 =	vadd.s32 v1, v3  }
0x6c: {  	[tilespmem:s9], [sflag:$0x1] =	stream.indirect_vreg.gather [hbm4b:s4+s2], $0x80, v4, vm0, $0xb8;
	[tilespmem:$0x15080] =	vst v63  }
0x6d: {  	s9 =	simm.s32 $0xA080  }
0x6e: {  	[tilespmem:s9], [sflag:$0x1] =	stream.indirect_vreg.gather [hbm4b:s5+s2], $0x80, v4, vm0, $0xb8;
	[tilespmem:$0x15080] =	vst v63  }
0x6f: {  	_ = 	snop  }
0x70: {  	[tilespmem:s10], [sflag:$0x1] =	stream.indirect_vreg.gather [hbm4b:s3+s2], $0x80, v3, vm0, $0xb8;
	[tilespmem:$0x15080] =	vst v63  }
0x71: {  	_ = 	snop  }
0x72: {  	[tilespmem:s11], [sflag:$0x1] =	stream.indirect_vreg.gather [hbm4b:s4+s2], $0x80, v3, vm0, $0xb8;
	[tilespmem:$0x15080] =	vst v63  }
0x73: {  	_ = 	snop  }
0x74: {  	[tilespmem:s12], [sflag:$0x1] =	stream.indirect_vreg.gather [hbm4b:s5+s2], $0x80, v3, vm0, $0xb8;
	[tilespmem:$0x15080] =	vst v63  }
0x75: {  	v3 =	vld [tilespmem:$0x40];
	_ =	sdelay $0x4  }
0x76: {  	v61 =	vshrl.u32 v3, $0x3  }
0x77: {  	v4 =	vmul.u32 $0x30, v61  }
0x78: {  	v3 =	vand.u32 $0x7, v3  }
0x79: {  	v3 =	vor.u32 v3, v4  }
0x7a: {  	v4 =	vperm.xlane v3, v0;
	_ =	sdelay $0x1  }
0x7b: {  	v4 =	vadd.s32 v1, v4;
	_ =	sdelay $0x3  }
0x7c: {  	v3 =	vperm.xlane v3, v2  }
0x7d: {  	[tilespmem:s13], [sflag:$0x1] =	stream.indirect_vreg.gather [hbm4b:s3+s2], $0x80, v4, vm0, $0xb8;
	[tilespmem:$0x15080] =	vst v63  }
0x7e: {  	v3 =	vadd.s32 v1, v3  }
0x7f: {  	[tilespmem:s14], [sflag:$0x1] =	stream.indirect_vreg.gather [hbm4b:s4+s2], $0x80, v4, vm0, $0xb8;
	[tilespmem:$0x15080] =	vst v63  }
0x80: {  	_ = 	snop  }
0x81: {  	[tilespmem:s15], [sflag:$0x1] =	stream.indirect_vreg.gather [hbm4b:s5+s2], $0x80, v4, vm0, $0xb8;
	[tilespmem:$0x15080] =	vst v63  }
0x82: {  	_ = 	snop  }
0x83: {  	[tilespmem:s16], [sflag:$0x1] =	stream.indirect_vreg.gather [hbm4b:s3+s2], $0x80, v3, vm0, $0xb8;
	[tilespmem:$0x15080] =	vst v63  }
0x84: {  	_ = 	snop  }
0x85: {  	[tilespmem:s17], [sflag:$0x1] =	stream.indirect_vreg.gather [hbm4b:s4+s2], $0x80, v3, vm0, $0xb8;
	[tilespmem:$0x15080] =	vst v63  }
0x86: {  	_ = 	snop  }
0x87: {  	[tilespmem:s18], [sflag:$0x1] =	stream.indirect_vreg.gather [hbm4b:s5+s2], $0x80, v3, vm0, $0xb8;
	[tilespmem:$0x15080] =	vst v63  }
0x88: {  	v3 =	vld [tilespmem:$0x50];
	_ =	sdelay $0x4  }
0x89: {  	v62 =	vshrl.u32 v3, $0x3  }
0x8a: {  	v4 =	vmul.u32 $0x30, v62  }
0x8b: {  	v3 =	vand.u32 $0x7, v3  }
0x8c: {  	v3 =	vor.u32 v3, v4  }
0x8d: {  	v4 =	vperm.xlane v3, v0;
	_ =	sdelay $0x1  }
0x8e: {  	v4 =	vadd.s32 v1, v4;
	_ =	sdelay $0x3  }
0x8f: {  	v3 =	vperm.xlane v3, v2  }
0x90: {  	[tilespmem:s19], [sflag:$0x1] =	stream.indirect_vreg.gather [hbm4b:s3+s2], $0x80, v4, vm0, $0xb8;
	[tilespmem:$0x15080] =	vst v63  }
0x91: {  	v3 =	vadd.s32 v1, v3  }
0x92: {  	[tilespmem:s20], [sflag:$0x1] =	stream.indirect_vreg.gather [hbm4b:s4+s2], $0x80, v4, vm0, $0xb8;
	[tilespmem:$0x15080] =	vst v63  }
0x93: {  	_ = 	snop  }
0x94: {  	[tilespmem:s21], [sflag:$0x1] =	stream.indirect_vreg.gather [hbm4b:s5+s2], $0x80, v4, vm0, $0xb8;
	[tilespmem:$0x15080] =	vst v63  }
0x95: {  	_ = 	snop  }
0x96: {  	[tilespmem:s22], [sflag:$0x1] =	stream.indirect_vreg.gather [hbm4b:s3+s2], $0x80, v3, vm0, $0xb8;
	[tilespmem:$0x15080] =	vst v63  }
0x97: {  	_ = 	snop  }
0x98: {  	[tilespmem:s23], [sflag:$0x1] =	stream.indirect_vreg.gather [hbm4b:s4+s2], $0x80, v3, vm0, $0xb8;
	[tilespmem:$0x15080] =	vst v63  }
0x99: {  	_ = 	snop  }
0x9a: {  	[tilespmem:s24], [sflag:$0x1] =	stream.indirect_vreg.gather [hbm4b:s5+s2], $0x80, v3, vm0, $0xb8;
	[tilespmem:$0x15080] =	vst v63  }
0x9b: {  	v3 =	vld [tilespmem:$0x60];
	_ =	sdelay $0x4  }
0x9c: {  	v63 =	vshrl.u32 v3, $0x3  }
0x9d: {  	v4 =	vmul.u32 $0x30, v63  }
0x9e: {  	v3 =	vand.u32 $0x7, v3  }
0x9f: {  	v3 =	vor.u32 v3, v4  }
0xa0: {  	v4 =	vperm.xlane v3, v0;
	_ =	sdelay $0x1  }
0xa1: {  	v4 =	vadd.s32 v1, v4;
	_ =	sdelay $0x3  }
0xa2: {  	v3 =	vperm.xlane v3, v2  }
0xa3: {  	[tilespmem:s25], [sflag:$0x1] =	stream.indirect_vreg.gather [hbm4b:s3+s2], $0x80, v4, vm0, $0xb8;
	[tilespmem:$0x15080] =	vst v63  }
0xa4: {  	v3 =	vadd.s32 v1, v3  }
0xa5: {  	[tilespmem:s26], [sflag:$0x1] =	stream.indirect_vreg.gather [hbm4b:s4+s2], $0x80, v4, vm0, $0xb8;
	[tilespmem:$0x15080] =	vst v63  }
0xa6: {  	_ = 	snop  }
0xa7: {  	[tilespmem:s28], [sflag:$0x1] =	stream.indirect_vreg.gather [hbm4b:s5+s2], $0x80, v4, vm0, $0xb8;
	[tilespmem:$0x15080] =	vst v63  }
0xa8: {  	_ = 	snop  }
0xa9: {  	[tilespmem:s29], [sflag:$0x1] =	stream.indirect_vreg.gather [hbm4b:s3+s2], $0x80, v3, vm0, $0xb8;
	[tilespmem:$0x15080] =	vst v63  }
0xaa: {  	_ = 	snop  }
0xab: {  	[tilespmem:s30], [sflag:$0x1] =	stream.indirect_vreg.gather [hbm4b:s4+s2], $0x80, v3, vm0, $0xb8;
	[tilespmem:$0x15080] =	vst v63  }
0xac: {  	_ = 	snop  }
0xad: {  	[tilespmem:s31], [sflag:$0x1] =	stream.indirect_vreg.gather [hbm4b:s5+s2], $0x80, v3, vm0, $0xb8;
	[tilespmem:$0x15080] =	vst v63  }
0xae: {  	_ =	swait.ge [sflag:s1], $0x15000  }
0xaf: {  	p0 =	sne.s32 s6, $0x1;
	[sflag:s1] =	ssyncset.done $0x0  }
.Ltmp0:
0xb0: {  	s9 =	rddreg [dreg:$0x4];
	[sflag:s1] =	ssyncadd.s32 $0xFFFEB000;
	(pc) =	sbr.rel @p0 .LBB2_1-.Ltmp0, $4  }
0xb1: {  	[hbm4b:s9+s2] =	stream.linear.scatter [tilespmem:s8], [sflag:$0x2], $0x15000, $0x38;
	[tilespmem:$0x15080] =	vst v63  }
0xb2: {  	_ =	swait.ge [sflag:s7], $0x15000  }
0xb3: {  	[sflag:s7] =	ssyncset.done $0x0  }
0xb4: {  	s6 =	sadd.s32 $0xFFFFFFFF, s6;
	[sflag:s7] =	ssyncadd.s32 $0xFFFEB000  }
0xb5: {  	_ =	sfence.sel $0x180000  }
0xb6: {  	[bflag:$0x0] =	sbarrier.arrive $0xFFFF  }
0xb7: {  	_ =	strace $0x90000047  }
0xb8: {  	s0 =	stileid.u32;
	[bflag:$0x2] =	sbarrier.arrive $0xFFFF  }
0xb9: {  	p0 =	sne.s32 s0, $0x0;
	s0 =	rddreg [dreg:$0x2]  }
0xba: {  	s0 =	sadd.s32 @!p0 $0x100000, s0  }
0xbb: {  	[sflag:s0] =	ssyncadd.tile.s32 @!p0 $0x1;
	_ =	shalt  }
.Lfunc_end2:
_tile_overlayer_lowered:
.L_overlay_start_2:
0xbc: {  	(tag) =	ssettag $0x2  }
0xbd: {  	s0 =	rddreg [dreg:$0x0];
	s2 =	stileid.u32  }
0xbe: {  	s1 =	rddreg [dreg:$0x1];
	p0 =	sne.s32 s2, $0x0  }
0xbf: {  	s3 =	rddreg [dreg:$0x2];
	[bflag:$0x3] =	sbarrier.arrive $0xFFFF;
	s2 =	simm.s32 @!p0 $0x1C02  }
0xc0: {  	[timem:s3], [sflag:s2] =	dma.local @!p0 [hbm:s0], s1  }
0xc1: {  	s0 =	simm.s32 @!p0 $0x2  }
0xc2: {  	_ =	swait.ge @!p0 [sflag:s0], s1  }
0xc3: {  	s1 =	ssub.s32 @!p0 $0x0, s1;
	[sflag:s0] =	ssyncset.done @!p0 $0x0  }
0xc4: {  	[sflag:s0] =	ssyncadd.s32 @!p0 s1  }
0xc5: {  	[bflag:$0x3] =	sbarrier.arrive $0xFFFF  }
0xc6: {  	_ =	shalt  }

</sc_bundles>
